<compile_context>
chip_gen: v7x
topology: tpu7x:2x2x1
jax: 0.10.2.dev20260603
libtpu: 0.0.44.dev20260713+nightly
codegen_flags: <defaults>
</compile_context>

<pallas_src>
import functools

import jax
import jax.numpy as jnp
from jax import lax
from jax.experimental import pallas as pl
from jax.experimental.pallas import tpu as pltpu
from jax.experimental.pallas import tpu_sc as plsc

N = 10000
E = 320000
F = 128
HID = 64

NC = 2
NS = 16
NW = NC * NS
EPW = E // NW
CH = 125
CW = 80
NR = 5
CPR = CH // NR
NPAD = 10240
SLICE = NPAD // NS
TRASH = N

_mesh = plsc.VectorSubcoreMesh(
    core_axis_name="c", subcore_axis_name="s", num_cores=NC, num_subcores=NS)


@functools.partial(
    pl.kernel,
    out_type=[jax.ShapeDtypeStruct((NC, NPAD), jnp.float32),
              jax.ShapeDtypeStruct((NW, NR, CPR, CW), jnp.int32)],
    mesh=_mesh,
    scratch_types=[
        pltpu.VMEM((NR, CPR, CW), jnp.int32),
        pltpu.VMEM((NR, CPR, CW), jnp.int32),
        pltpu.VMEM((CW,), jnp.float32),
        pltpu.VMEM_SHARED((NPAD,), jnp.float32),
    ],
)
def _sc_degree(src_hbm, dst_hbm, zero1_hbm, deg_out, dstm_out, srcv, dstv,
               onesv, deg_sh):
    c = lax.axis_index("c")
    s = lax.axis_index("s")
    w = s * NC + c
    pltpu.sync_copy(src_hbm.at[w], srcv)
    pltpu.sync_copy(dst_hbm.at[w], dstv)
    for j in range(CW // 16):
        onesv[pl.ds(j * 16, 16)] = jnp.ones((16,), jnp.float32)

    def mrow(k, _):
        r, i = lax.div(k, CPR), lax.rem(k, CPR)

        def sub(j, _):
            sv = srcv[r, i, pl.ds(j * 16, 16)]
            dv = dstv[r, i, pl.ds(j * 16, 16)]
            eq = sv == dv
            tr = jnp.full((16,), TRASH, jnp.int32)
            srcv[r, i, pl.ds(j * 16, 16)] = jnp.where(eq, tr, sv)
            dstv[r, i, pl.ds(j * 16, 16)] = jnp.where(eq, tr, dv)
            return 0
        return lax.fori_loop(0, CW // 16, sub, 0)
    lax.fori_loop(0, NR * CPR, mrow, 0)
    pltpu.sync_copy(dstv, dstm_out.at[w])
    pltpu.sync_copy(zero1_hbm, deg_sh.at[pl.ds(s * SLICE, SLICE)])
    plsc.subcore_barrier()

    def chunk(k, _):
        r, i = lax.div(k, CPR), lax.rem(k, CPR)
        pltpu.sync_copy(onesv, deg_sh.at[srcv.at[r, i]], add=True)
        return 0
    lax.fori_loop(0, NR * CPR, chunk, 0)
    plsc.subcore_barrier()
    pltpu.sync_copy(deg_sh.at[pl.ds(s * SLICE, SLICE)],
                    deg_out.at[c, pl.ds(s * SLICE, SLICE)])


@functools.partial(
    pl.kernel,
    out_type=jax.ShapeDtypeStruct((NC, NPAD, F), jnp.float32),
    mesh=_mesh,
    scratch_types=[
        pltpu.VMEM((CPR, CW), jnp.int32),
        pltpu.VMEM((CPR, CW), jnp.int32),
        pltpu.VMEM((3, CW, F), jnp.float32),
        pltpu.VMEM_SHARED((NPAD, F), jnp.float32),
        pltpu.SemaphoreType.DMA,
    ],
)
def _sc_scatter(src_hbm, dst_hbm, yw_hbm, zero2_hbm, s_out, srcv, dstv, rows,
                s_sh, gsem):
    c = lax.axis_index("c")
    s = lax.axis_index("s")
    w = s * NC + c
    pltpu.sync_copy(zero2_hbm, s_sh.at[pl.ds(s * SLICE, SLICE)])
    plsc.subcore_barrier()

    def rnd(r, _):
        pltpu.sync_copy(src_hbm.at[w, r], srcv)
        pltpu.sync_copy(dst_hbm.at[w, r], dstv)
        pltpu.async_copy(yw_hbm.at[srcv.at[0]], rows.at[0], gsem)
        pltpu.async_copy(yw_hbm.at[srcv.at[1]], rows.at[1], gsem)

        def chunk(i, _):
            b = lax.rem(i, 3)

            @pl.when(i + 2 < CPR)
            def _prefetch():
                pltpu.async_copy(yw_hbm.at[srcv.at[i + 2]],
                                 rows.at[lax.rem(i + 2, 3)], gsem)
            pltpu.make_async_copy(yw_hbm.at[srcv.at[i]], rows.at[b],
                                  gsem).wait()
            pltpu.sync_copy(rows.at[b], s_sh.at[dstv.at[i]], add=True)
            return 0
        lax.fori_loop(0, CPR, chunk, 0)
        return 0
    lax.fori_loop(0, NR, rnd, 0)
    plsc.subcore_barrier()
    pltpu.sync_copy(s_sh.at[pl.ds(s * SLICE, SLICE)],
                    s_out.at[c, pl.ds(s * SLICE, SLICE)])


_RB = 1000


def _tc_pre_body(x_ref, degt_ref, wcat_ref, yw_ref):
    degcol = degt_ref[...]
    dinv = jnp.where(degcol > 0, lax.rsqrt(degcol), 0.0)
    yw_ref[...] = (x_ref[...] * dinv) @ wcat_ref[...]


def _tc_post_body(x_ref, degt_ref, s_ref, w0_ref, bias_ref, linw_ref,
                  linb_ref, out_ref):
    degcol = degt_ref[...]
    dinv = jnp.where(degcol > 0, lax.rsqrt(degcol), 0.0)
    ssum = s_ref[0] + s_ref[1]
    a = x_ref[...] @ w0_ref[...] + bias_ref[...] - dinv * ssum
    z = jax.nn.sigmoid(a[:, :HID])
    ht = jnp.tanh(a[:, HID:])
    out_ref[...] = ((1.0 - z) * ht) @ linw_ref[...] + linb_ref[...]


def kernel(x, edge_index, W_x, W_h, b_x, b_h, lin_W, lin_b):
    out_dim = lin_W.shape[1]
    wcat = jnp.concatenate([W_x[0, 1], W_x[2, 1]], axis=1)
    w0cat = jnp.concatenate([W_x[0, 0], W_x[2, 0]], axis=1)
    bias = jnp.concatenate([b_x[0] + b_h[0], b_x[2] + b_h[2]])[None, :]
    linb2 = lin_b[None, :]

    src_r = edge_index[0].reshape(NW, NR, CPR, CW)
    dst_r = edge_index[1].reshape(NW, NR, CPR, CW)
    zero1 = jnp.zeros((SLICE,), jnp.float32)
    zero2 = jnp.zeros((SLICE, F), jnp.float32)

    deg2, dstm = _sc_degree(src_r, dst_r, zero1)
    degt = (deg2[0] + deg2[1])[:, None]

    grid = N // _RB
    yw = pl.pallas_call(
        _tc_pre_body,
        grid=(grid,),
        in_specs=[
            pl.BlockSpec((_RB, F), lambda i: (i, 0)),
            pl.BlockSpec((_RB, 1), lambda i: (i, 0)),
            pl.BlockSpec((F, F), lambda i: (0, 0)),
        ],
        out_specs=pl.BlockSpec((_RB, F), lambda i: (i, 0)),
        out_shape=jax.ShapeDtypeStruct((N, F), jnp.float32),
    )(x, degt, wcat)

    s2 = _sc_scatter(src_r, dstm, yw, zero2)

    out = pl.pallas_call(
        _tc_post_body,
        grid=(grid,),
        in_specs=[
            pl.BlockSpec((_RB, F), lambda i: (i, 0)),
            pl.BlockSpec((_RB, 1), lambda i: (i, 0)),
            pl.BlockSpec((NC, _RB, F), lambda i: (0, i, 0)),
            pl.BlockSpec((F, F), lambda i: (0, 0)),
            pl.BlockSpec((1, F), lambda i: (0, 0)),
            pl.BlockSpec((HID, out_dim), lambda i: (0, 0)),
            pl.BlockSpec((1, out_dim), lambda i: (0, 0)),
        ],
        out_specs=pl.BlockSpec((_RB, out_dim), lambda i: (i, 0)),
        out_shape=jax.ShapeDtypeStruct((N, out_dim), jnp.float32),
    )(x, degt, s2, w0cat, bias, lin_W, linb2)
    return out

# --- scband reference (transcript-rebuilt; emitter-appended) ---
"""Pipeline reference for scband-gconv-gruclassifier-73083163508914 (READ-ONLY COPY).

The authoritative reference and input builder live on the scoring server;
editing this copy changes nothing except your own understanding.
"""

import jax, jax.numpy as jnp
import numpy as np

N = 10000
E = 320000
F_IN = 128
HID = 64
OUT = 10
K = 2


def setup_inputs(seed: int = 0) -> dict:
    key = jax.random.key(seed)
    ks = jax.random.split(key, 10)
    x = jax.random.normal(ks[0], (N, F_IN), dtype=jnp.float32)
    edge_index = jax.random.randint(ks[1], (2, E), 0, N, dtype=jnp.int32)

    def w(k, shape):
        return jax.random.normal(k, shape, dtype=jnp.float32) * 0.05

    # Stacked ChebConv weights: axis 0 indexes the (z, r, h) gates.
    W_x = w(ks[2], (3, K, F_IN, HID))   # conv_x_z, conv_x_r, conv_x_h
    W_h = w(ks[3], (3, K, HID, HID))    # conv_h_z, conv_h_r, conv_h_h
    b_x = w(ks[4], (3, HID))
    b_h = w(ks[5], (3, HID))
    lin_W = w(ks[6], (HID, OUT))
    lin_b = w(ks[7], (OUT,))
    return {
        "x": x,
        "edge_index": edge_index,
        "W_x": W_x,
        "W_h": W_h,
        "b_x": b_x,
        "b_h": b_h,
        "lin_W": lin_W,
        "lin_b": lin_b,
    }


def _cheb_norm(edge_index, n):
    # PyG ChebConv.__norm__ with sym normalization, lambda_max = 2.0:
    # L_hat = (2/lambda_max) * (I - D^-1/2 A D^-1/2) - I = -D^-1/2 A D^-1/2
    # (self-loops are removed first; the final diagonal nets to zero).
    src, dst = edge_index[0], edge_index[1]
    w = jnp.where(src == dst, 0.0, 1.0).astype(jnp.float32)  # remove_self_loops
    deg = jax.ops.segment_sum(w, src, num_segments=n)
    dinv = jnp.where(deg > 0, deg ** -0.5, 0.0)
    norm = -dinv[src] * w * dinv[dst]
    return src, dst, norm


def _cheb_conv(xf, src, dst, norm, W, b, n):
    # PyG ChebConv forward: out = sum_k lins[k](T_k(L_hat) x) + bias
    Tx0 = xf
    out = Tx0 @ W[0]
    Tx1 = jax.ops.segment_sum(norm[:, None] * xf[src], dst, num_segments=n)
    out = out + Tx1 @ W[1]
    for k in range(2, W.shape[0]):
        Tx2 = jax.ops.segment_sum(norm[:, None] * Tx1[src], dst, num_segments=n)
        Tx2 = 2.0 * Tx2 - Tx0
        out = out + Tx2 @ W[k]
        Tx0, Tx1 = Tx1, Tx2
    return out + b


def reference(x, edge_index, W_x, W_h, b_x, b_h, lin_W, lin_b):
    n = x.shape[0]
    src, dst, norm = _cheb_norm(edge_index, n)
    H = jnp.zeros((n, W_h.shape[-1]), dtype=x.dtype)  # _set_hidden_state
    Z = jax.nn.sigmoid(
        _cheb_conv(x, src, dst, norm, W_x[0], b_x[0], n)
        + _cheb_conv(H, src, dst, norm, W_h[0], b_h[0], n)
    )
    R = jax.nn.sigmoid(
        _cheb_conv(x, src, dst, norm, W_x[1], b_x[1], n)
        + _cheb_conv(H, src, dst, norm, W_h[1], b_h[1], n)
    )
    H_tilde = jnp.tanh(
        _cheb_conv(x, src, dst, norm, W_x[2], b_x[2], n)
        + _cheb_conv(H * R, src, dst, norm, W_h[2], b_h[2], n)
    )
    H = Z * H + (1.0 - Z) * H_tilde
    return H @ lin_W + lin_b

if __name__ == "__main__":
    import jax
    _d = setup_inputs()
    print(jax.jit(kernel)(*tuple(_d.values())))

</pallas_src>

<mosaic_0001>
#map = affine_map<(d0, d1) -> (0, 0, 0, 0)>
#map1 = affine_map<(d0, d1) -> (0)>
#map2 = affine_map<(d0, d1) -> (0, 0)>
module attributes {stable_mosaic.version = 14 : i64} {
  func.func @_sc_degree(%arg0: i32, %arg1: i32, %arg2: memref<32x5x25x80xi32, #tpu.memory_space<hbm>>, %arg3: memref<32x5x25x80xi32, #tpu.memory_space<hbm>>, %arg4: memref<640xf32, #tpu.memory_space<hbm>>, %arg5: memref<2x10240xf32, #tpu.memory_space<hbm>>, %arg6: memref<32x5x25x80xi32, #tpu.memory_space<hbm>>, %arg7: memref<5x25x80xi32, #tpu.memory_space<vmem>>, %arg8: memref<5x25x80xi32, #tpu.memory_space<vmem>>, %arg9: memref<80xf32, #tpu.memory_space<vmem>>, %arg10: memref<10240xf32, #tpu.memory_space<vmem_shared>>) attributes {dimension_semantics = [#tpu.dimension_semantics<core_parallel>, #tpu.dimension_semantics<subcore_parallel>], iteration_bounds = array<i64: 2, 16>, scalar_prefetch = 0 : i64, scratch_operands = 4 : i64, tpu.core_type = #tpu.core_type<sc_vector_subcore>, window_params = [{transform_indices = #map}, {transform_indices = #map}, {transform_indices = #map1}, {transform_indices = #map2}, {transform_indices = #map}]} {
    %mul3A = arith.constant 2 : i32
    %mul3A_0 = arith.muli %arg1, %mul3A : i32
    %add3A = arith.addi %mul3A_0, %arg0 : i32
    "tpu.region"() ({
      %run_scoped3A = tpu.sem_alloc : memref<!tpu.dma_semaphore, #tpu.memory_space<semaphore_mem>>
      %dma_start3A = arith.constant 0 : i32
      %dma_start3A_49 = arith.constant 0 : i32
      %dma_start3A_50 = arith.constant 0 : i32
      %dma_start3A_51 = tpu.memref_slice %arg2[%add3A, %dma_start3A, %dma_start3A_49, %dma_start3A_50] : memref<32x5x25x80xi32, #tpu.memory_space<hbm>> -> memref<1x5x25x80xi32, #tpu.memory_space<hbm>>
      %dma_start3A_52 = tpu.memref_squeeze %dma_start3A_51 : memref<1x5x25x80xi32, #tpu.memory_space<hbm>> -> memref<5x25x80xi32, #tpu.memory_space<hbm>>
      %dma_start3A_53 = arith.constant 0 : i32
      %dma_start3A_54 = arith.constant 0 : i32
      %dma_start3A_55 = arith.constant 0 : i32
      %dma_start3A_56 = tpu.memref_slice %arg2[%add3A, %dma_start3A_53, %dma_start3A_54, %dma_start3A_55] : memref<32x5x25x80xi32, #tpu.memory_space<hbm>> -> memref<1x5x25x80xi32, #tpu.memory_space<hbm>>
      %dma_start3A_57 = tpu.memref_squeeze %dma_start3A_56 : memref<1x5x25x80xi32, #tpu.memory_space<hbm>> -> memref<5x25x80xi32, #tpu.memory_space<hbm>>
      tpu.enqueue_dma source(%dma_start3A_57 : memref<5x25x80xi32, #tpu.memory_space<hbm>>) target(%arg7 : memref<5x25x80xi32, #tpu.memory_space<vmem>>) target_semaphore(%run_scoped3A : memref<!tpu.dma_semaphore, #tpu.memory_space<semaphore_mem>>)
      %dma_wait3A = arith.constant 0 : i32
      %dma_wait3A_58 = arith.constant 0 : i32
      %dma_wait3A_59 = arith.constant 0 : i32
      %dma_wait3A_60 = tpu.memref_slice %arg2[%add3A, %dma_wait3A, %dma_wait3A_58, %dma_wait3A_59] : memref<32x5x25x80xi32, #tpu.memory_space<hbm>> -> memref<1x5x25x80xi32, #tpu.memory_space<hbm>>
      %dma_wait3A_61 = tpu.memref_squeeze %dma_wait3A_60 : memref<1x5x25x80xi32, #tpu.memory_space<hbm>> -> memref<5x25x80xi32, #tpu.memory_space<hbm>>
      %dma_wait3A_62 = arith.constant 0 : i32
      %dma_wait3A_63 = arith.constant 0 : i32
      %dma_wait3A_64 = arith.constant 0 : i32
      %dma_wait3A_65 = tpu.memref_slice %arg2[%add3A, %dma_wait3A_62, %dma_wait3A_63, %dma_wait3A_64] : memref<32x5x25x80xi32, #tpu.memory_space<hbm>> -> memref<1x5x25x80xi32, #tpu.memory_space<hbm>>
      %dma_wait3A_66 = tpu.memref_squeeze %dma_wait3A_65 : memref<1x5x25x80xi32, #tpu.memory_space<hbm>> -> memref<5x25x80xi32, #tpu.memory_space<hbm>>
      tpu.wait_dma2 semaphore(%run_scoped3A : memref<!tpu.dma_semaphore, #tpu.memory_space<semaphore_mem>>) src(%dma_wait3A_66 : memref<5x25x80xi32, #tpu.memory_space<hbm>>) dst(%arg7 : memref<5x25x80xi32, #tpu.memory_space<vmem>>)
      tpu.yield
    }) : () -> ()
    "tpu.region"() ({
      %run_scoped3A = tpu.sem_alloc : memref<!tpu.dma_semaphore, #tpu.memory_space<semaphore_mem>>
      %dma_start3A = arith.constant 0 : i32
      %dma_start3A_49 = arith.constant 0 : i32
      %dma_start3A_50 = arith.constant 0 : i32
      %dma_start3A_51 = tpu.memref_slice %arg3[%add3A, %dma_start3A, %dma_start3A_49, %dma_start3A_50] : memref<32x5x25x80xi32, #tpu.memory_space<hbm>> -> memref<1x5x25x80xi32, #tpu.memory_space<hbm>>
      %dma_start3A_52 = tpu.memref_squeeze %dma_start3A_51 : memref<1x5x25x80xi32, #tpu.memory_space<hbm>> -> memref<5x25x80xi32, #tpu.memory_space<hbm>>
      %dma_start3A_53 = arith.constant 0 : i32
      %dma_start3A_54 = arith.constant 0 : i32
      %dma_start3A_55 = arith.constant 0 : i32
      %dma_start3A_56 = tpu.memref_slice %arg3[%add3A, %dma_start3A_53, %dma_start3A_54, %dma_start3A_55] : memref<32x5x25x80xi32, #tpu.memory_space<hbm>> -> memref<1x5x25x80xi32, #tpu.memory_space<hbm>>
      %dma_start3A_57 = tpu.memref_squeeze %dma_start3A_56 : memref<1x5x25x80xi32, #tpu.memory_space<hbm>> -> memref<5x25x80xi32, #tpu.memory_space<hbm>>
      tpu.enqueue_dma source(%dma_start3A_57 : memref<5x25x80xi32, #tpu.memory_space<hbm>>) target(%arg8 : memref<5x25x80xi32, #tpu.memory_space<vmem>>) target_semaphore(%run_scoped3A : memref<!tpu.dma_semaphore, #tpu.memory_space<semaphore_mem>>)
      %dma_wait3A = arith.constant 0 : i32
      %dma_wait3A_58 = arith.constant 0 : i32
      %dma_wait3A_59 = arith.constant 0 : i32
      %dma_wait3A_60 = tpu.memref_slice %arg3[%add3A, %dma_wait3A, %dma_wait3A_58, %dma_wait3A_59] : memref<32x5x25x80xi32, #tpu.memory_space<hbm>> -> memref<1x5x25x80xi32, #tpu.memory_space<hbm>>
      %dma_wait3A_61 = tpu.memref_squeeze %dma_wait3A_60 : memref<1x5x25x80xi32, #tpu.memory_space<hbm>> -> memref<5x25x80xi32, #tpu.memory_space<hbm>>
      %dma_wait3A_62 = arith.constant 0 : i32
      %dma_wait3A_63 = arith.constant 0 : i32
      %dma_wait3A_64 = arith.constant 0 : i32
      %dma_wait3A_65 = tpu.memref_slice %arg3[%add3A, %dma_wait3A_62, %dma_wait3A_63, %dma_wait3A_64] : memref<32x5x25x80xi32, #tpu.memory_space<hbm>> -> memref<1x5x25x80xi32, #tpu.memory_space<hbm>>
      %dma_wait3A_66 = tpu.memref_squeeze %dma_wait3A_65 : memref<1x5x25x80xi32, #tpu.memory_space<hbm>> -> memref<5x25x80xi32, #tpu.memory_space<hbm>>
      tpu.wait_dma2 semaphore(%run_scoped3A : memref<!tpu.dma_semaphore, #tpu.memory_space<semaphore_mem>>) src(%dma_wait3A_66 : memref<5x25x80xi32, #tpu.memory_space<hbm>>) dst(%arg8 : memref<5x25x80xi32, #tpu.memory_space<vmem>>)
      tpu.yield
    }) : () -> ()
    %broadcast_in_dim3A = arith.constant 1.000000e+00 : f32
    %broadcast_in_dim3A_1 = vector.broadcast %broadcast_in_dim3A : f32 to vector<16xf32>
    %swap3A = arith.constant 0 : index
    %swap3A_2 = tpu.vector_load %arg9[%swap3A] {strides = array<i32>} : memref<80xf32, #tpu.memory_space<vmem>>, vector<16xf32>,
    %swap3A_3 = vector.shape_cast %swap3A_2 : vector<16xf32> to vector<16xf32>
    %swap3A_4 = vector.shape_cast %broadcast_in_dim3A_1 : vector<16xf32> to vector<16xf32>
    tpu.vector_store %arg9[%swap3A], %swap3A_4 {strides = array<i32>} : memref<80xf32, #tpu.memory_space<vmem>>, vector<16xf32>,
    %broadcast_in_dim3A_5 = arith.constant 1.000000e+00 : f32
    %broadcast_in_dim3A_6 = vector.broadcast %broadcast_in_dim3A_5 : f32 to vector<16xf32>
    %swap3A_7 = arith.constant 16 : index
    %swap3A_8 = tpu.vector_load %arg9[%swap3A_7] {strides = array<i32>} : memref<80xf32, #tpu.memory_space<vmem>>, vector<16xf32>,
    %swap3A_9 = vector.shape_cast %swap3A_8 : vector<16xf32> to vector<16xf32>
    %swap3A_10 = vector.shape_cast %broadcast_in_dim3A_6 : vector<16xf32> to vector<16xf32>
    tpu.vector_store %arg9[%swap3A_7], %swap3A_10 {strides = array<i32>} : memref<80xf32, #tpu.memory_space<vmem>>, vector<16xf32>,
    %broadcast_in_dim3A_11 = arith.constant 1.000000e+00 : f32
    %broadcast_in_dim3A_12 = vector.broadcast %broadcast_in_dim3A_11 : f32 to vector<16xf32>
    %swap3A_13 = arith.constant 32 : index
    %swap3A_14 = tpu.vector_load %arg9[%swap3A_13] {strides = array<i32>} : memref<80xf32, #tpu.memory_space<vmem>>, vector<16xf32>,
    %swap3A_15 = vector.shape_cast %swap3A_14 : vector<16xf32> to vector<16xf32>
    %swap3A_16 = vector.shape_cast %broadcast_in_dim3A_12 : vector<16xf32> to vector<16xf32>
    tpu.vector_store %arg9[%swap3A_13], %swap3A_16 {strides = array<i32>} : memref<80xf32, #tpu.memory_space<vmem>>, vector<16xf32>,
    %broadcast_in_dim3A_17 = arith.constant 1.000000e+00 : f32
    %broadcast_in_dim3A_18 = vector.broadcast %broadcast_in_dim3A_17 : f32 to vector<16xf32>
    %swap3A_19 = arith.constant 48 : index
    %swap3A_20 = tpu.vector_load %arg9[%swap3A_19] {strides = array<i32>} : memref<80xf32, #tpu.memory_space<vmem>>, vector<16xf32>,
    %swap3A_21 = vector.shape_cast %swap3A_20 : vector<16xf32> to vector<16xf32>
    %swap3A_22 = vector.shape_cast %broadcast_in_dim3A_18 : vector<16xf32> to vector<16xf32>
    tpu.vector_store %arg9[%swap3A_19], %swap3A_22 {strides = array<i32>} : memref<80xf32, #tpu.memory_space<vmem>>, vector<16xf32>,
    %broadcast_in_dim3A_23 = arith.constant 1.000000e+00 : f32
    %broadcast_in_dim3A_24 = vector.broadcast %broadcast_in_dim3A_23 : f32 to vector<16xf32>
    %swap3A_25 = arith.constant 64 : index
    %swap3A_26 = tpu.vector_load %arg9[%swap3A_25] {strides = array<i32>} : memref<80xf32, #tpu.memory_space<vmem>>, vector<16xf32>,
    %swap3A_27 = vector.shape_cast %swap3A_26 : vector<16xf32> to vector<16xf32>
    %swap3A_28 = vector.shape_cast %broadcast_in_dim3A_24 : vector<16xf32> to vector<16xf32>
    tpu.vector_store %arg9[%swap3A_25], %swap3A_28 {strides = array<i32>} : memref<80xf32, #tpu.memory_space<vmem>>, vector<16xf32>,
    %scan3A = arith.constant 0 : i32
    %scan3A_29 = arith.constant 0 : i32
    %scan3A_30 = arith.constant 125 : i32
    %scan3A_31 = arith.addi %scan3A_29, %scan3A_30 : i32
    %scan3A_32 = arith.constant 1 : i32
    %scan3A_33 = scf.for %scan3A_49 = %scan3A_29 to %scan3A_31 step %scan3A_32 iter_args(%scan3A_50 = %scan3A) -> (i32)  : i32 {
      %div3A = arith.constant 25 : i32
      %div3A_51 = arith.divsi %scan3A_49, %div3A : i32
      %rem3A = arith.constant 25 : i32
      %rem3A_52 = arith.remsi %scan3A_49, %rem3A : i32
      %scan3A_53 = arith.constant 0 : i32
      %scan3A_54 = arith.constant 0 : i32
      %scan3A_55 = arith.constant 5 : i32
      %scan3A_56 = arith.addi %scan3A_54, %scan3A_55 : i32
      %scan3A_57 = arith.constant 1 : i32
      %scan3A_58 = scf.for %scan3A_60 = %scan3A_54 to %scan3A_56 step %scan3A_57 iter_args(%scan3A_61 = %scan3A_53) -> (i32)  : i32 {
        %mul3A_62 = arith.constant 16 : i32
        %mul3A_63 = arith.muli %scan3A_60, %mul3A_62 : i32
        %get3A = arith.index_cast %div3A_51 : i32 to index
        %get3A_64 = arith.index_cast %rem3A_52 : i32 to index
        %get3A_65 = arith.index_cast %mul3A_63 : i32 to index
        %get3A_66 = tpu.vector_load %arg7[%get3A, %get3A_64, %get3A_65] {strides = array<i32>} : memref<5x25x80xi32, #tpu.memory_space<vmem>>, vector<1x1x16xi32>,
        %get3A_67 = vector.shape_cast %get3A_66 : vector<1x1x16xi32> to vector<16xi32>
        %mul3A_68 = arith.constant 16 : i32
        %mul3A_69 = arith.muli %scan3A_60, %mul3A_68 : i32
        %get3A_70 = arith.index_cast %div3A_51 : i32 to index
        %get3A_71 = arith.index_cast %rem3A_52 : i32 to index
        %get3A_72 = arith.index_cast %mul3A_69 : i32 to index
        %get3A_73 = tpu.vector_load %arg8[%get3A_70, %get3A_71, %get3A_72] {strides = array<i32>} : memref<5x25x80xi32, #tpu.memory_space<vmem>>, vector<1x1x16xi32>,
        %get3A_74 = vector.shape_cast %get3A_73 : vector<1x1x16xi32> to vector<16xi32>
        %eq3A = arith.cmpi eq, %get3A_67, %get3A_74 : vector<16xi32>
        %broadcast_in_dim3A_75 = arith.constant 10000 : i32
        %broadcast_in_dim3A_76 = vector.broadcast %broadcast_in_dim3A_75 : i32 to vector<16xi32>
        %select_n3A = arith.select %eq3A, %broadcast_in_dim3A_76, %get3A_67 : vector<16xi1>, vector<16xi32>
        %mul3A_77 = arith.constant 16 : i32
        %mul3A_78 = arith.muli %scan3A_60, %mul3A_77 : i32
        %swap3A_79 = arith.index_cast %div3A_51 : i32 to index
        %swap3A_80 = arith.index_cast %rem3A_52 : i32 to index
        %swap3A_81 = arith.index_cast %mul3A_78 : i32 to index
        %swap3A_82 = tpu.vector_load %arg7[%swap3A_79, %swap3A_80, %swap3A_81] {strides = array<i32>} : memref<5x25x80xi32, #tpu.memory_space<vmem>>, vector<1x1x16xi32>,
        %swap3A_83 = vector.shape_cast %swap3A_82 : vector<1x1x16xi32> to vector<16xi32>
        %swap3A_84 = vector.shape_cast %select_n3A : vector<16xi32> to vector<1x1x16xi32>
        tpu.vector_store %arg7[%swap3A_79, %swap3A_80, %swap3A_81], %swap3A_84 {strides = array<i32>} : memref<5x25x80xi32, #tpu.memory_space<vmem>>, vector<1x1x16xi32>,
        %select_n3A_85 = arith.select %eq3A, %broadcast_in_dim3A_76, %get3A_74 : vector<16xi1>, vector<16xi32>
        %mul3A_86 = arith.constant 16 : i32
        %mul3A_87 = arith.muli %scan3A_60, %mul3A_86 : i32
        %swap3A_88 = arith.index_cast %div3A_51 : i32 to index
        %swap3A_89 = arith.index_cast %rem3A_52 : i32 to index
        %swap3A_90 = arith.index_cast %mul3A_87 : i32 to index
        %swap3A_91 = tpu.vector_load %arg8[%swap3A_88, %swap3A_89, %swap3A_90] {strides = array<i32>} : memref<5x25x80xi32, #tpu.memory_space<vmem>>, vector<1x1x16xi32>,
        %swap3A_92 = vector.shape_cast %swap3A_91 : vector<1x1x16xi32> to vector<16xi32>
        %swap3A_93 = vector.shape_cast %select_n3A_85 : vector<16xi32> to vector<1x1x16xi32>
        tpu.vector_store %arg8[%swap3A_88, %swap3A_89, %swap3A_90], %swap3A_93 {strides = array<i32>} : memref<5x25x80xi32, #tpu.memory_space<vmem>>, vector<1x1x16xi32>,
        %scan3A_94 = arith.constant 0 : i32
        scf.yield %scan3A_94 : i32
      }
      %scan3A_59 = arith.constant 5 : i32
      scf.yield %scan3A_58 : i32
    }
    %scan3A_34 = arith.constant 125 : i32
    "tpu.region"() ({
      %run_scoped3A = tpu.sem_alloc : memref<!tpu.dma_semaphore, #tpu.memory_space<semaphore_mem>>
      %dma_start3A = arith.constant 0 : i32
      %dma_start3A_49 = arith.constant 0 : i32
      %dma_start3A_50 = arith.constant 0 : i32
      %dma_start3A_51 = tpu.memref_slice %arg6[%add3A, %dma_start3A, %dma_start3A_49, %dma_start3A_50] : memref<32x5x25x80xi32, #tpu.memory_space<hbm>> -> memref<1x5x25x80xi32, #tpu.memory_space<hbm>>
      %dma_start3A_52 = tpu.memref_squeeze %dma_start3A_51 : memref<1x5x25x80xi32, #tpu.memory_space<hbm>> -> memref<5x25x80xi32, #tpu.memory_space<hbm>>
      %dma_start3A_53 = arith.constant 0 : i32
      %dma_start3A_54 = arith.constant 0 : i32
      %dma_start3A_55 = arith.constant 0 : i32
      %dma_start3A_56 = tpu.memref_slice %arg6[%add3A, %dma_start3A_53, %dma_start3A_54, %dma_start3A_55] : memref<32x5x25x80xi32, #tpu.memory_space<hbm>> -> memref<1x5x25x80xi32, #tpu.memory_space<hbm>>
      %dma_start3A_57 = tpu.memref_squeeze %dma_start3A_56 : memref<1x5x25x80xi32, #tpu.memory_space<hbm>> -> memref<5x25x80xi32, #tpu.memory_space<hbm>>
      tpu.enqueue_dma source(%arg8 : memref<5x25x80xi32, #tpu.memory_space<vmem>>) target(%dma_start3A_57 : memref<5x25x80xi32, #tpu.memory_space<hbm>>) target_semaphore(%run_scoped3A : memref<!tpu.dma_semaphore, #tpu.memory_space<semaphore_mem>>)
      %dma_wait3A = arith.constant 0 : i32
      %dma_wait3A_58 = arith.constant 0 : i32
      %dma_wait3A_59 = arith.constant 0 : i32
      %dma_wait3A_60 = tpu.memref_slice %arg6[%add3A, %dma_wait3A, %dma_wait3A_58, %dma_wait3A_59] : memref<32x5x25x80xi32, #tpu.memory_space<hbm>> -> memref<1x5x25x80xi32, #tpu.memory_space<hbm>>
      %dma_wait3A_61 = tpu.memref_squeeze %dma_wait3A_60 : memref<1x5x25x80xi32, #tpu.memory_space<hbm>> -> memref<5x25x80xi32, #tpu.memory_space<hbm>>
      %dma_wait3A_62 = arith.constant 0 : i32
      %dma_wait3A_63 = arith.constant 0 : i32
      %dma_wait3A_64 = arith.constant 0 : i32
      %dma_wait3A_65 = tpu.memref_slice %arg6[%add3A, %dma_wait3A_62, %dma_wait3A_63, %dma_wait3A_64] : memref<32x5x25x80xi32, #tpu.memory_space<hbm>> -> memref<1x5x25x80xi32, #tpu.memory_space<hbm>>
      %dma_wait3A_66 = tpu.memref_squeeze %dma_wait3A_65 : memref<1x5x25x80xi32, #tpu.memory_space<hbm>> -> memref<5x25x80xi32, #tpu.memory_space<hbm>>
      tpu.wait_dma2 semaphore(%run_scoped3A : memref<!tpu.dma_semaphore, #tpu.memory_space<semaphore_mem>>) src(%arg8 : memref<5x25x80xi32, #tpu.memory_space<vmem>>) dst(%dma_wait3A_66 : memref<5x25x80xi32, #tpu.memory_space<hbm>>)
      tpu.yield
    }) : () -> ()
    %mul3A_35 = arith.constant 640 : i32
    %mul3A_36 = arith.muli %arg1, %mul3A_35 : i32
    "tpu.region"() ({
      %run_scoped3A = tpu.sem_alloc : memref<!tpu.dma_semaphore, #tpu.memory_space<semaphore_mem>>
      %dma_start3A = tpu.memref_slice %arg10[%mul3A_36] : memref<10240xf32, #tpu.memory_space<vmem_shared>> -> memref<640xf32, #tpu.memory_space<vmem_shared>>
      tpu.enqueue_dma source(%arg4 : memref<640xf32, #tpu.memory_space<hbm>>) target(%dma_start3A : memref<640xf32, #tpu.memory_space<vmem_shared>>) target_semaphore(%run_scoped3A : memref<!tpu.dma_semaphore, #tpu.memory_space<semaphore_mem>>)
      %dma_wait3A = tpu.memref_slice %arg10[%mul3A_36] : memref<10240xf32, #tpu.memory_space<vmem_shared>> -> memref<640xf32, #tpu.memory_space<vmem_shared>>
      tpu.wait_dma2 semaphore(%run_scoped3A : memref<!tpu.dma_semaphore, #tpu.memory_space<semaphore_mem>>) src(%arg4 : memref<640xf32, #tpu.memory_space<hbm>>) dst(%dma_wait3A : memref<640xf32, #tpu.memory_space<vmem_shared>>)
      tpu.yield
    }) : () -> ()
    %barrier3A = arith.constant 0 : index
    tpu.barrier barrier_id(%barrier3A)
    %scan3A_37 = arith.constant 0 : i32
    %scan3A_38 = arith.constant 0 : i32
    %scan3A_39 = arith.constant 125 : i32
    %scan3A_40 = arith.addi %scan3A_38, %scan3A_39 : i32
    %scan3A_41 = arith.constant 1 : i32
    %scan3A_42 = scf.for %scan3A_49 = %scan3A_38 to %scan3A_40 step %scan3A_41 iter_args(%scan3A_50 = %scan3A_37) -> (i32)  : i32 {
      %div3A = arith.constant 25 : i32
      %div3A_51 = arith.divsi %scan3A_49, %div3A : i32
      %rem3A = arith.constant 25 : i32
      %rem3A_52 = arith.remsi %scan3A_49, %rem3A : i32
      "tpu.region"() ({
        %run_scoped3A = tpu.sem_alloc : memref<!tpu.dma_semaphore, #tpu.memory_space<semaphore_mem>>
        %dma_start3A = arith.constant 0 : i32
        %dma_start3A_54 = tpu.memref_slice %arg7[%div3A_51, %rem3A_52, %dma_start3A] : memref<5x25x80xi32, #tpu.memory_space<vmem>> -> memref<1x1x80xi32, #tpu.memory_space<vmem>>
        %dma_start3A_55 = tpu.memref_squeeze %dma_start3A_54 : memref<1x1x80xi32, #tpu.memory_space<vmem>> -> memref<80xi32, #tpu.memory_space<vmem>>
        %dma_start3A_56 = arith.constant 0 : i32
        %dma_start3A_57 = tpu.memref_slice %arg10[%dma_start3A_56] : memref<10240xf32, #tpu.memory_space<vmem_shared>> -> memref<10240xf32, #tpu.memory_space<vmem_shared>>
        tpu.enqueue_indirect_dma source(%arg9 : memref<80xf32, #tpu.memory_space<vmem>>) target(%dma_start3A_57 : memref<10240xf32, #tpu.memory_space<vmem_shared>>) offsets(%dma_start3A_55 : memref<80xi32, #tpu.memory_space<vmem>>) semaphore(%run_scoped3A : memref<!tpu.dma_semaphore, #tpu.memory_space<semaphore_mem>>) {add = true}
        %dma_wait3A = arith.constant 0 : i32
        %dma_wait3A_58 = tpu.memref_slice %arg7[%div3A_51, %rem3A_52, %dma_wait3A] : memref<5x25x80xi32, #tpu.memory_space<vmem>> -> memref<1x1x80xi32, #tpu.memory_space<vmem>>
        %dma_wait3A_59 = tpu.memref_squeeze %dma_wait3A_58 : memref<1x1x80xi32, #tpu.memory_space<vmem>> -> memref<80xi32, #tpu.memory_space<vmem>>
        %dma_wait3A_60 = arith.constant 0 : i32
        %dma_wait3A_61 = tpu.memref_slice %arg10[%dma_wait3A_60] : memref<10240xf32, #tpu.memory_space<vmem_shared>> -> memref<10240xf32, #tpu.memory_space<vmem_shared>>
        tpu.wait_indirect_dma semaphore(%run_scoped3A : memref<!tpu.dma_semaphore, #tpu.memory_space<semaphore_mem>>) src(%arg9 : memref<80xf32, #tpu.memory_space<vmem>>) dst(%dma_wait3A_61 : memref<10240xf32, #tpu.memory_space<vmem_shared>>)
        tpu.yield
      }) : () -> ()
      %scan3A_53 = arith.constant 0 : i32
      scf.yield %scan3A_53 : i32
    }
    %scan3A_43 = arith.constant 125 : i32
    %barrier3A_44 = arith.constant 0 : index
    tpu.barrier barrier_id(%barrier3A_44)
    %mul3A_45 = arith.constant 640 : i32
    %mul3A_46 = arith.muli %arg1, %mul3A_45 : i32
    %mul3A_47 = arith.constant 640 : i32
    %mul3A_48 = arith.muli %arg1, %mul3A_47 : i32
    "tpu.region"() ({
      %run_scoped3A = tpu.sem_alloc : memref<!tpu.dma_semaphore, #tpu.memory_space<semaphore_mem>>
      %dma_start3A = tpu.memref_slice %arg5[%arg0, %mul3A_48] : memref<2x10240xf32, #tpu.memory_space<hbm>> -> memref<1x640xf32, #tpu.memory_space<hbm>>
      %dma_start3A_49 = tpu.memref_squeeze %dma_start3A : memref<1x640xf32, #tpu.memory_space<hbm>> -> memref<640xf32, #tpu.memory_space<hbm>>
      %dma_start3A_50 = tpu.memref_slice %arg10[%mul3A_46] : memref<10240xf32, #tpu.memory_space<vmem_shared>> -> memref<640xf32, #tpu.memory_space<vmem_shared>>
      tpu.enqueue_dma source(%dma_start3A_50 : memref<640xf32, #tpu.memory_space<vmem_shared>>) target(%dma_start3A_49 : memref<640xf32, #tpu.memory_space<hbm>>) target_semaphore(%run_scoped3A : memref<!tpu.dma_semaphore, #tpu.memory_space<semaphore_mem>>)
      %dma_wait3A = tpu.memref_slice %arg5[%arg0, %mul3A_48] : memref<2x10240xf32, #tpu.memory_space<hbm>> -> memref<1x640xf32, #tpu.memory_space<hbm>>
      %dma_wait3A_51 = tpu.memref_squeeze %dma_wait3A : memref<1x640xf32, #tpu.memory_space<hbm>> -> memref<640xf32, #tpu.memory_space<hbm>>
      %dma_wait3A_52 = tpu.memref_slice %arg10[%mul3A_46] : memref<10240xf32, #tpu.memory_space<vmem_shared>> -> memref<640xf32, #tpu.memory_space<vmem_shared>>
      tpu.wait_dma2 semaphore(%run_scoped3A : memref<!tpu.dma_semaphore, #tpu.memory_space<semaphore_mem>>) src(%dma_wait3A_52 : memref<640xf32, #tpu.memory_space<vmem_shared>>) dst(%dma_wait3A_51 : memref<640xf32, #tpu.memory_space<hbm>>)
      tpu.yield
    }) : () -> ()
    return
  }
}

#map = affine_map<(d0, d1) -> (0, 0, 0, 0)>
#map1 = affine_map<(d0, d1) -> (0, 0)>
#map2 = affine_map<(d0, d1) -> (0, 0, 0)>
module attributes {stable_mosaic.version = 14 : i64} {
  func.func @_sc_scatter(%arg0: i32, %arg1: i32, %arg2: memref<32x5x25x80xi32, #tpu.memory_space<hbm>>, %arg3: memref<32x5x25x80xi32, #tpu.memory_space<hbm>>, %arg4: memref<10000x128xf32, #tpu.memory_space<hbm>>, %arg5: memref<640x128xf32, #tpu.memory_space<hbm>>, %arg6: memref<2x10240x128xf32, #tpu.memory_space<hbm>>, %arg7: memref<25x80xi32, #tpu.memory_space<vmem>>, %arg8: memref<25x80xi32, #tpu.memory_space<vmem>>, %arg9: memref<3x80x128xf32, #tpu.memory_space<vmem>>, %arg10: memref<10240x128xf32, #tpu.memory_space<vmem_shared>>, %arg11: memref<!tpu.dma_semaphore, #tpu.memory_space<semaphore_mem>>) attributes {dimension_semantics = [#tpu.dimension_semantics<core_parallel>, #tpu.dimension_semantics<subcore_parallel>], iteration_bounds = array<i64: 2, 16>, scalar_prefetch = 0 : i64, scratch_operands = 5 : i64, tpu.core_type = #tpu.core_type<sc_vector_subcore>, window_params = [{transform_indices = #map}, {transform_indices = #map}, {transform_indices = #map1}, {transform_indices = #map1}, {transform_indices = #map2}]} {
    %mul3A = arith.constant 2 : i32
    %mul3A_0 = arith.muli %arg1, %mul3A : i32
    %add3A = arith.addi %mul3A_0, %arg0 : i32
    %mul3A_1 = arith.constant 640 : i32
    %mul3A_2 = arith.muli %arg1, %mul3A_1 : i32
    "tpu.region"() ({
      %run_scoped3A = tpu.sem_alloc : memref<!tpu.dma_semaphore, #tpu.memory_space<semaphore_mem>>
      %dma_start3A = arith.constant 0 : i32
      %dma_start3A_14 = tpu.memref_slice %arg10[%mul3A_2, %dma_start3A] : memref<10240x128xf32, #tpu.memory_space<vmem_shared>> -> memref<640x128xf32, #tpu.memory_space<vmem_shared>>
      tpu.enqueue_dma source(%arg5 : memref<640x128xf32, #tpu.memory_space<hbm>>) target(%dma_start3A_14 : memref<640x128xf32, #tpu.memory_space<vmem_shared>>) target_semaphore(%run_scoped3A : memref<!tpu.dma_semaphore, #tpu.memory_space<semaphore_mem>>)
      %dma_wait3A = arith.constant 0 : i32
      %dma_wait3A_15 = tpu.memref_slice %arg10[%mul3A_2, %dma_wait3A] : memref<10240x128xf32, #tpu.memory_space<vmem_shared>> -> memref<640x128xf32, #tpu.memory_space<vmem_shared>>
      tpu.wait_dma2 semaphore(%run_scoped3A : memref<!tpu.dma_semaphore, #tpu.memory_space<semaphore_mem>>) src(%arg5 : memref<640x128xf32, #tpu.memory_space<hbm>>) dst(%dma_wait3A_15 : memref<640x128xf32, #tpu.memory_space<vmem_shared>>)
      tpu.yield
    }) : () -> ()
    %barrier3A = arith.constant 0 : index
    tpu.barrier barrier_id(%barrier3A)
    %scan3A = arith.constant 0 : i32
    %scan3A_3 = arith.constant 0 : i32
    %scan3A_4 = arith.constant 5 : i32
    %scan3A_5 = arith.addi %scan3A_3, %scan3A_4 : i32
    %scan3A_6 = arith.constant 1 : i32
    %scan3A_7 = scf.for %scan3A_14 = %scan3A_3 to %scan3A_5 step %scan3A_6 iter_args(%scan3A_15 = %scan3A) -> (i32)  : i32 {
      "tpu.region"() ({
        %run_scoped3A = tpu.sem_alloc : memref<!tpu.dma_semaphore, #tpu.memory_space<semaphore_mem>>
        %dma_start3A_47 = arith.constant 0 : i32
        %dma_start3A_48 = arith.constant 0 : i32
        %dma_start3A_49 = tpu.memref_slice %arg2[%add3A, %scan3A_14, %dma_start3A_47, %dma_start3A_48] : memref<32x5x25x80xi32, #tpu.memory_space<hbm>> -> memref<1x1x25x80xi32, #tpu.memory_space<hbm>>
        %dma_start3A_50 = tpu.memref_squeeze %dma_start3A_49 : memref<1x1x25x80xi32, #tpu.memory_space<hbm>> -> memref<25x80xi32, #tpu.memory_space<hbm>>
        %dma_start3A_51 = arith.constant 0 : i32
        %dma_start3A_52 = arith.constant 0 : i32
        %dma_start3A_53 = tpu.memref_slice %arg2[%add3A, %scan3A_14, %dma_start3A_51, %dma_start3A_52] : memref<32x5x25x80xi32, #tpu.memory_space<hbm>> -> memref<1x1x25x80xi32, #tpu.memory_space<hbm>>
        %dma_start3A_54 = tpu.memref_squeeze %dma_start3A_53 : memref<1x1x25x80xi32, #tpu.memory_space<hbm>> -> memref<25x80xi32, #tpu.memory_space<hbm>>
        tpu.enqueue_dma source(%dma_start3A_54 : memref<25x80xi32, #tpu.memory_space<hbm>>) target(%arg7 : memref<25x80xi32, #tpu.memory_space<vmem>>) target_semaphore(%run_scoped3A : memref<!tpu.dma_semaphore, #tpu.memory_space<semaphore_mem>>)
        %dma_wait3A = arith.constant 0 : i32
        %dma_wait3A_55 = arith.constant 0 : i32
        %dma_wait3A_56 = tpu.memref_slice %arg2[%add3A, %scan3A_14, %dma_wait3A, %dma_wait3A_55] : memref<32x5x25x80xi32, #tpu.memory_space<hbm>> -> memref<1x1x25x80xi32, #tpu.memory_space<hbm>>
        %dma_wait3A_57 = tpu.memref_squeeze %dma_wait3A_56 : memref<1x1x25x80xi32, #tpu.memory_space<hbm>> -> memref<25x80xi32, #tpu.memory_space<hbm>>
        %dma_wait3A_58 = arith.constant 0 : i32
        %dma_wait3A_59 = arith.constant 0 : i32
        %dma_wait3A_60 = tpu.memref_slice %arg2[%add3A, %scan3A_14, %dma_wait3A_58, %dma_wait3A_59] : memref<32x5x25x80xi32, #tpu.memory_space<hbm>> -> memref<1x1x25x80xi32, #tpu.memory_space<hbm>>
        %dma_wait3A_61 = tpu.memref_squeeze %dma_wait3A_60 : memref<1x1x25x80xi32, #tpu.memory_space<hbm>> -> memref<25x80xi32, #tpu.memory_space<hbm>>
        tpu.wait_dma2 semaphore(%run_scoped3A : memref<!tpu.dma_semaphore, #tpu.memory_space<semaphore_mem>>) src(%dma_wait3A_61 : memref<25x80xi32, #tpu.memory_space<hbm>>) dst(%arg7 : memref<25x80xi32, #tpu.memory_space<vmem>>)
        tpu.yield
      }) : () -> ()
      "tpu.region"() ({
        %run_scoped3A = tpu.sem_alloc : memref<!tpu.dma_semaphore, #tpu.memory_space<semaphore_mem>>
        %dma_start3A_47 = arith.constant 0 : i32
        %dma_start3A_48 = arith.constant 0 : i32
        %dma_start3A_49 = tpu.memref_slice %arg3[%add3A, %scan3A_14, %dma_start3A_47, %dma_start3A_48] : memref<32x5x25x80xi32, #tpu.memory_space<hbm>> -> memref<1x1x25x80xi32, #tpu.memory_space<hbm>>
        %dma_start3A_50 = tpu.memref_squeeze %dma_start3A_49 : memref<1x1x25x80xi32, #tpu.memory_space<hbm>> -> memref<25x80xi32, #tpu.memory_space<hbm>>
        %dma_start3A_51 = arith.constant 0 : i32
        %dma_start3A_52 = arith.constant 0 : i32
        %dma_start3A_53 = tpu.memref_slice %arg3[%add3A, %scan3A_14, %dma_start3A_51, %dma_start3A_52] : memref<32x5x25x80xi32, #tpu.memory_space<hbm>> -> memref<1x1x25x80xi32, #tpu.memory_space<hbm>>
        %dma_start3A_54 = tpu.memref_squeeze %dma_start3A_53 : memref<1x1x25x80xi32, #tpu.memory_space<hbm>> -> memref<25x80xi32, #tpu.memory_space<hbm>>
        tpu.enqueue_dma source(%dma_start3A_54 : memref<25x80xi32, #tpu.memory_space<hbm>>) target(%arg8 : memref<25x80xi32, #tpu.memory_space<vmem>>) target_semaphore(%run_scoped3A : memref<!tpu.dma_semaphore, #tpu.memory_space<semaphore_mem>>)
        %dma_wait3A = arith.constant 0 : i32
        %dma_wait3A_55 = arith.constant 0 : i32
        %dma_wait3A_56 = tpu.memref_slice %arg3[%add3A, %scan3A_14, %dma_wait3A, %dma_wait3A_55] : memref<32x5x25x80xi32, #tpu.memory_space<hbm>> -> memref<1x1x25x80xi32, #tpu.memory_space<hbm>>
        %dma_wait3A_57 = tpu.memref_squeeze %dma_wait3A_56 : memref<1x1x25x80xi32, #tpu.memory_space<hbm>> -> memref<25x80xi32, #tpu.memory_space<hbm>>
        %dma_wait3A_58 = arith.constant 0 : i32
        %dma_wait3A_59 = arith.constant 0 : i32
        %dma_wait3A_60 = tpu.memref_slice %arg3[%add3A, %scan3A_14, %dma_wait3A_58, %dma_wait3A_59] : memref<32x5x25x80xi32, #tpu.memory_space<hbm>> -> memref<1x1x25x80xi32, #tpu.memory_space<hbm>>
        %dma_wait3A_61 = tpu.memref_squeeze %dma_wait3A_60 : memref<1x1x25x80xi32, #tpu.memory_space<hbm>> -> memref<25x80xi32, #tpu.memory_space<hbm>>
        tpu.wait_dma2 semaphore(%run_scoped3A : memref<!tpu.dma_semaphore, #tpu.memory_space<semaphore_mem>>) src(%dma_wait3A_61 : memref<25x80xi32, #tpu.memory_space<hbm>>) dst(%arg8 : memref<25x80xi32, #tpu.memory_space<vmem>>)
        tpu.yield
      }) : () -> ()
      %dma_start3A = arith.constant 0 : i32
      %dma_start3A_16 = arith.constant 0 : i32
      %dma_start3A_17 = arith.constant 0 : i32
      %dma_start3A_18 = arith.constant 0 : i32
      %dma_start3A_19 = tpu.memref_slice %arg9[%dma_start3A_16, %dma_start3A_17, %dma_start3A_18] : memref<3x80x128xf32, #tpu.memory_space<vmem>> -> memref<1x80x128xf32, #tpu.memory_space<vmem>>
      %dma_start3A_20 = tpu.memref_squeeze %dma_start3A_19 : memref<1x80x128xf32, #tpu.memory_space<vmem>> -> memref<80x128xf32, #tpu.memory_space<vmem>>
      %dma_start3A_21 = arith.constant 0 : i32
      %dma_start3A_22 = tpu.memref_slice %arg7[%dma_start3A, %dma_start3A_21] : memref<25x80xi32, #tpu.memory_space<vmem>> -> memref<1x80xi32, #tpu.memory_space<vmem>>
      %dma_start3A_23 = tpu.memref_squeeze %dma_start3A_22 : memref<1x80xi32, #tpu.memory_space<vmem>> -> memref<80xi32, #tpu.memory_space<vmem>>
      %dma_start3A_24 = arith.constant 0 : i32
      %dma_start3A_25 = arith.constant 0 : i32
      %dma_start3A_26 = tpu.memref_slice %arg4[%dma_start3A_24, %dma_start3A_25] : memref<10000x128xf32, #tpu.memory_space<hbm>> -> memref<10000x128xf32, #tpu.memory_space<hbm>>
      tpu.enqueue_indirect_dma source(%dma_start3A_26 : memref<10000x128xf32, #tpu.memory_space<hbm>>) target(%dma_start3A_20 : memref<80x128xf32, #tpu.memory_space<vmem>>) offsets(%dma_start3A_23 : memref<80xi32, #tpu.memory_space<vmem>>) semaphore(%arg11 : memref<!tpu.dma_semaphore, #tpu.memory_space<semaphore_mem>>)
      %dma_start3A_27 = arith.constant 1 : i32
      %dma_start3A_28 = arith.constant 1 : i32
      %dma_start3A_29 = arith.constant 0 : i32
      %dma_start3A_30 = arith.constant 0 : i32
      %dma_start3A_31 = tpu.memref_slice %arg9[%dma_start3A_28, %dma_start3A_29, %dma_start3A_30] : memref<3x80x128xf32, #tpu.memory_space<vmem>> -> memref<1x80x128xf32, #tpu.memory_space<vmem>>
      %dma_start3A_32 = tpu.memref_squeeze %dma_start3A_31 : memref<1x80x128xf32, #tpu.memory_space<vmem>> -> memref<80x128xf32, #tpu.memory_space<vmem>>
      %dma_start3A_33 = arith.constant 0 : i32
      %dma_start3A_34 = tpu.memref_slice %arg7[%dma_start3A_27, %dma_start3A_33] : memref<25x80xi32, #tpu.memory_space<vmem>> -> memref<1x80xi32, #tpu.memory_space<vmem>>
      %dma_start3A_35 = tpu.memref_squeeze %dma_start3A_34 : memref<1x80xi32, #tpu.memory_space<vmem>> -> memref<80xi32, #tpu.memory_space<vmem>>
      %dma_start3A_36 = arith.constant 0 : i32
      %dma_start3A_37 = arith.constant 0 : i32
      %dma_start3A_38 = tpu.memref_slice %arg4[%dma_start3A_36, %dma_start3A_37] : memref<10000x128xf32, #tpu.memory_space<hbm>> -> memref<10000x128xf32, #tpu.memory_space<hbm>>
      tpu.enqueue_indirect_dma source(%dma_start3A_38 : memref<10000x128xf32, #tpu.memory_space<hbm>>) target(%dma_start3A_32 : memref<80x128xf32, #tpu.memory_space<vmem>>) offsets(%dma_start3A_35 : memref<80xi32, #tpu.memory_space<vmem>>) semaphore(%arg11 : memref<!tpu.dma_semaphore, #tpu.memory_space<semaphore_mem>>)
      %scan3A_39 = arith.constant 0 : i32
      %scan3A_40 = arith.constant 0 : i32
      %scan3A_41 = arith.constant 25 : i32
      %scan3A_42 = arith.addi %scan3A_40, %scan3A_41 : i32
      %scan3A_43 = arith.constant 1 : i32
      %scan3A_44 = scf.for %scan3A_47 = %scan3A_40 to %scan3A_42 step %scan3A_43 iter_args(%scan3A_48 = %scan3A_39) -> (i32)  : i32 {
        %rem3A = arith.constant 3 : i32
        %rem3A_49 = arith.remsi %scan3A_47, %rem3A : i32
        %add3A_50 = arith.constant 2 : i32
        %add3A_51 = arith.addi %scan3A_47, %add3A_50 : i32
        %lt3A = arith.constant 25 : i32
        %lt3A_52 = arith.cmpi slt, %add3A_51, %lt3A : i32
        %convert_element_type3A = arith.extui %lt3A_52 : i1 to i32
        %cond3A = arith.constant 0 : i32
        %cond3A_53 = arith.cmpi ne, %convert_element_type3A, %cond3A : i32
        scf.if %cond3A_53 {
          %add3A_64 = arith.constant 2 : i32
          %add3A_65 = arith.addi %scan3A_47, %add3A_64 : i32
          %add3A_66 = arith.constant 2 : i32
          %add3A_67 = arith.addi %scan3A_47, %add3A_66 : i32
          %rem3A_68 = arith.constant 3 : i32
          %rem3A_69 = arith.remsi %add3A_67, %rem3A_68 : i32
          %dma_start3A_70 = arith.constant 0 : i32
          %dma_start3A_71 = arith.constant 0 : i32
          %dma_start3A_72 = tpu.memref_slice %arg9[%rem3A_69, %dma_start3A_70, %dma_start3A_71] : memref<3x80x128xf32, #tpu.memory_space<vmem>> -> memref<1x80x128xf32, #tpu.memory_space<vmem>>
          %dma_start3A_73 = tpu.memref_squeeze %dma_start3A_72 : memref<1x80x128xf32, #tpu.memory_space<vmem>> -> memref<80x128xf32, #tpu.memory_space<vmem>>
          %dma_start3A_74 = arith.constant 0 : i32
          %dma_start3A_75 = tpu.memref_slice %arg7[%add3A_65, %dma_start3A_74] : memref<25x80xi32, #tpu.memory_space<vmem>> -> memref<1x80xi32, #tpu.memory_space<vmem>>
          %dma_start3A_76 = tpu.memref_squeeze %dma_start3A_75 : memref<1x80xi32, #tpu.memory_space<vmem>> -> memref<80xi32, #tpu.memory_space<vmem>>
          %dma_start3A_77 = arith.constant 0 : i32
          %dma_start3A_78 = arith.constant 0 : i32
          %dma_start3A_79 = tpu.memref_slice %arg4[%dma_start3A_77, %dma_start3A_78] : memref<10000x128xf32, #tpu.memory_space<hbm>> -> memref<10000x128xf32, #tpu.memory_space<hbm>>
          tpu.enqueue_indirect_dma source(%dma_start3A_79 : memref<10000x128xf32, #tpu.memory_space<hbm>>) target(%dma_start3A_73 : memref<80x128xf32, #tpu.memory_space<vmem>>) offsets(%dma_start3A_76 : memref<80xi32, #tpu.memory_space<vmem>>) semaphore(%arg11 : memref<!tpu.dma_semaphore, #tpu.memory_space<semaphore_mem>>)
        } else {
        }
        %dma_wait3A = arith.constant 0 : i32
        %dma_wait3A_54 = arith.constant 0 : i32
        %dma_wait3A_55 = tpu.memref_slice %arg9[%rem3A_49, %dma_wait3A, %dma_wait3A_54] : memref<3x80x128xf32, #tpu.memory_space<vmem>> -> memref<1x80x128xf32, #tpu.memory_space<vmem>>
        %dma_wait3A_56 = tpu.memref_squeeze %dma_wait3A_55 : memref<1x80x128xf32, #tpu.memory_space<vmem>> -> memref<80x128xf32, #tpu.memory_space<vmem>>
        %dma_wait3A_57 = arith.constant 0 : i32
        %dma_wait3A_58 = tpu.memref_slice %arg7[%scan3A_47, %dma_wait3A_57] : memref<25x80xi32, #tpu.memory_space<vmem>> -> memref<1x80xi32, #tpu.memory_space<vmem>>
        %dma_wait3A_59 = tpu.memref_squeeze %dma_wait3A_58 : memref<1x80xi32, #tpu.memory_space<vmem>> -> memref<80xi32, #tpu.memory_space<vmem>>
        %dma_wait3A_60 = arith.constant 0 : i32
        %dma_wait3A_61 = arith.constant 0 : i32
        %dma_wait3A_62 = tpu.memref_slice %arg4[%dma_wait3A_60, %dma_wait3A_61] : memref<10000x128xf32, #tpu.memory_space<hbm>> -> memref<10000x128xf32, #tpu.memory_space<hbm>>
        tpu.wait_indirect_dma semaphore(%arg11 : memref<!tpu.dma_semaphore, #tpu.memory_space<semaphore_mem>>) src(%dma_wait3A_62 : memref<10000x128xf32, #tpu.memory_space<hbm>>) dst(%dma_wait3A_56 : memref<80x128xf32, #tpu.memory_space<vmem>>)
        "tpu.region"() ({
          %run_scoped3A = tpu.sem_alloc : memref<!tpu.dma_semaphore, #tpu.memory_space<semaphore_mem>>
          %dma_start3A_64 = arith.constant 0 : i32
          %dma_start3A_65 = arith.constant 0 : i32
          %dma_start3A_66 = tpu.memref_slice %arg9[%rem3A_49, %dma_start3A_64, %dma_start3A_65] : memref<3x80x128xf32, #tpu.memory_space<vmem>> -> memref<1x80x128xf32, #tpu.memory_space<vmem>>
          %dma_start3A_67 = tpu.memref_squeeze %dma_start3A_66 : memref<1x80x128xf32, #tpu.memory_space<vmem>> -> memref<80x128xf32, #tpu.memory_space<vmem>>
          %dma_start3A_68 = arith.constant 0 : i32
          %dma_start3A_69 = tpu.memref_slice %arg8[%scan3A_47, %dma_start3A_68] : memref<25x80xi32, #tpu.memory_space<vmem>> -> memref<1x80xi32, #tpu.memory_space<vmem>>
          %dma_start3A_70 = tpu.memref_squeeze %dma_start3A_69 : memref<1x80xi32, #tpu.memory_space<vmem>> -> memref<80xi32, #tpu.memory_space<vmem>>
          %dma_start3A_71 = arith.constant 0 : i32
          %dma_start3A_72 = arith.constant 0 : i32
          %dma_start3A_73 = tpu.memref_slice %arg10[%dma_start3A_71, %dma_start3A_72] : memref<10240x128xf32, #tpu.memory_space<vmem_shared>> -> memref<10240x128xf32, #tpu.memory_space<vmem_shared>>
          tpu.enqueue_indirect_dma source(%dma_start3A_67 : memref<80x128xf32, #tpu.memory_space<vmem>>) target(%dma_start3A_73 : memref<10240x128xf32, #tpu.memory_space<vmem_shared>>) offsets(%dma_start3A_70 : memref<80xi32, #tpu.memory_space<vmem>>) semaphore(%run_scoped3A : memref<!tpu.dma_semaphore, #tpu.memory_space<semaphore_mem>>) {add = true}
          %dma_wait3A_74 = arith.constant 0 : i32
          %dma_wait3A_75 = arith.constant 0 : i32
          %dma_wait3A_76 = tpu.memref_slice %arg9[%rem3A_49, %dma_wait3A_74, %dma_wait3A_75] : memref<3x80x128xf32, #tpu.memory_space<vmem>> -> memref<1x80x128xf32, #tpu.memory_space<vmem>>
          %dma_wait3A_77 = tpu.memref_squeeze %dma_wait3A_76 : memref<1x80x128xf32, #tpu.memory_space<vmem>> -> memref<80x128xf32, #tpu.memory_space<vmem>>
          %dma_wait3A_78 = arith.constant 0 : i32
          %dma_wait3A_79 = tpu.memref_slice %arg8[%scan3A_47, %dma_wait3A_78] : memref<25x80xi32, #tpu.memory_space<vmem>> -> memref<1x80xi32, #tpu.memory_space<vmem>>
          %dma_wait3A_80 = tpu.memref_squeeze %dma_wait3A_79 : memref<1x80xi32, #tpu.memory_space<vmem>> -> memref<80xi32, #tpu.memory_space<vmem>>
          %dma_wait3A_81 = arith.constant 0 : i32
          %dma_wait3A_82 = arith.constant 0 : i32
          %dma_wait3A_83 = tpu.memref_slice %arg10[%dma_wait3A_81, %dma_wait3A_82] : memref<10240x128xf32, #tpu.memory_space<vmem_shared>> -> memref<10240x128xf32, #tpu.memory_space<vmem_shared>>
          tpu.wait_indirect_dma semaphore(%run_scoped3A : memref<!tpu.dma_semaphore, #tpu.memory_space<semaphore_mem>>) src(%dma_wait3A_77 : memref<80x128xf32, #tpu.memory_space<vmem>>) dst(%dma_wait3A_83 : memref<10240x128xf32, #tpu.memory_space<vmem_shared>>)
          tpu.yield
        }) : () -> ()
        %scan3A_63 = arith.constant 0 : i32
        scf.yield %scan3A_63 : i32
      }
      %scan3A_45 = arith.constant 25 : i32
      %scan3A_46 = arith.constant 0 : i32
      scf.yield %scan3A_46 : i32
    }
    %scan3A_8 = arith.constant 5 : i32
    %barrier3A_9 = arith.constant 0 : index
    tpu.barrier barrier_id(%barrier3A_9)
    %mul3A_10 = arith.constant 640 : i32
    %mul3A_11 = arith.muli %arg1, %mul3A_10 : i32
    %mul3A_12 = arith.constant 640 : i32
    %mul3A_13 = arith.muli %arg1, %mul3A_12 : i32
    "tpu.region"() ({
      %run_scoped3A = tpu.sem_alloc : memref<!tpu.dma_semaphore, #tpu.memory_space<semaphore_mem>>
      %dma_start3A = arith.constant 0 : i32
      %dma_start3A_14 = tpu.memref_slice %arg6[%arg0, %mul3A_13, %dma_start3A] : memref<2x10240x128xf32, #tpu.memory_space<hbm>> -> memref<1x640x128xf32, #tpu.memory_space<hbm>>
      %dma_start3A_15 = tpu.memref_squeeze %dma_start3A_14 : memref<1x640x128xf32, #tpu.memory_space<hbm>> -> memref<640x128xf32, #tpu.memory_space<hbm>>
      %dma_start3A_16 = arith.constant 0 : i32
      %dma_start3A_17 = tpu.memref_slice %arg10[%mul3A_11, %dma_start3A_16] : memref<10240x128xf32, #tpu.memory_space<vmem_shared>> -> memref<640x128xf32, #tpu.memory_space<vmem_shared>>
      tpu.enqueue_dma source(%dma_start3A_17 : memref<640x128xf32, #tpu.memory_space<vmem_shared>>) target(%dma_start3A_15 : memref<640x128xf32, #tpu.memory_space<hbm>>) target_semaphore(%run_scoped3A : memref<!tpu.dma_semaphore, #tpu.memory_space<semaphore_mem>>)
      %dma_wait3A = arith.constant 0 : i32
      %dma_wait3A_18 = tpu.memref_slice %arg6[%arg0, %mul3A_13, %dma_wait3A] : memref<2x10240x128xf32, #tpu.memory_space<hbm>> -> memref<1x640x128xf32, #tpu.memory_space<hbm>>
      %dma_wait3A_19 = tpu.memref_squeeze %dma_wait3A_18 : memref<1x640x128xf32, #tpu.memory_space<hbm>> -> memref<640x128xf32, #tpu.memory_space<hbm>>
      %dma_wait3A_20 = arith.constant 0 : i32
      %dma_wait3A_21 = tpu.memref_slice %arg10[%mul3A_11, %dma_wait3A_20] : memref<10240x128xf32, #tpu.memory_space<vmem_shared>> -> memref<640x128xf32, #tpu.memory_space<vmem_shared>>
      tpu.wait_dma2 semaphore(%run_scoped3A : memref<!tpu.dma_semaphore, #tpu.memory_space<semaphore_mem>>) src(%dma_wait3A_21 : memref<640x128xf32, #tpu.memory_space<vmem_shared>>) dst(%dma_wait3A_19 : memref<640x128xf32, #tpu.memory_space<hbm>>)
      tpu.yield
    }) : () -> ()
    return
  }
}

module attributes {stable_mosaic.version = 14 : i64} {
  func.func @_tc_pre_body(%arg0: i32, %arg1: memref<1000x128xf32, #tpu.memory_space<vmem>>, %arg2: memref<1000x1xf32, #tpu.memory_space<vmem>>, %arg3: memref<128x128xf32, #tpu.memory_space<vmem>>, %arg4: memref<1000x128xf32, #tpu.memory_space<vmem>>) attributes {dimension_semantics = [#tpu.dimension_semantics<arbitrary>], iteration_bounds = array<i64: 10>, scalar_prefetch = 0 : i64, scratch_operands = 0 : i64, tpu.core_type = #tpu.core_type<tc>, window_params = [{transform_indices = @transform_0, window_bounds = array<i64: 1000, 128>}, {transform_indices = @transform_1, window_bounds = array<i64: 1000, 1>}, {pipeline_mode = #tpu.pipeline_mode<synchronous>, transform_indices = @transform_2, window_bounds = array<i64: 128, 128>}, {transform_indices = @transform_3, window_bounds = array<i64: 1000, 128>}]} {
    %get3A = arith.constant 0 : index
    %get3A_0 = arith.constant 0 : index
    %get3A_1 = vector.load %arg2[%get3A, %get3A_0] : memref<1000x1xf32, #tpu.memory_space<vmem>>, vector<1000x1xf32>
    %gt3A = arith.constant 0.000000e+00 : f32
    %gt3A_2 = vector.broadcast %gt3A : f32 to vector<1000x1xf32>
    %gt3A_3 = arith.cmpf ogt, %get3A_1, %gt3A_2 : vector<1000x1xf32>
    %rsqrt3A = math.rsqrt %get3A_1 : vector<1000x1xf32>
    %jit3A = arith.constant 0.000000e+00 : f32
    %broadcast_in_dim3A = vector.broadcast %jit3A : f32 to vector<1000x1xf32>
    %select_n3A = arith.select %gt3A_3, %rsqrt3A, %broadcast_in_dim3A : vector<1000x1xi1>, vector<1000x1xf32>
    %get3A_4 = arith.constant 0 : index
    %get3A_5 = arith.constant 0 : index
    %get3A_6 = vector.load %arg1[%get3A_4, %get3A_5] : memref<1000x128xf32, #tpu.memory_space<vmem>>, vector<1000x128xf32>
    %mul3A = vector.broadcast %select_n3A : vector<1000x1xf32> to vector<1000x128xf32>
    %mul3A_7 = arith.mulf %get3A_6, %mul3A : vector<1000x128xf32>
    %get3A_8 = arith.constant 0 : index
    %get3A_9 = arith.constant 0 : index
    %get3A_10 = vector.load %arg3[%get3A_8, %get3A_9] : memref<128x128xf32, #tpu.memory_space<vmem>>, vector<128x128xf32>
    %dot_general3A = arith.constant dense<0.000000e+00> : vector<1000x128xf32>
    %dot_general3A_11 = tpu.matmul %mul3A_7, %get3A_10, %dot_general3A {dimension_numbers = #tpu.dot_dimension_numbers<[1], [0], [0], [1], [0, 0, 1, 1], [], []>, transpose_lhs_hint = false} : vector<1000x128xf32>, vector<128x128xf32>, vector<1000x128xf32> -> vector<1000x128xf32>
    %swap3A = arith.constant 0 : index
    %swap3A_12 = arith.constant 0 : index
    %swap3A_13 = vector.load %arg4[%swap3A, %swap3A_12] : memref<1000x128xf32, #tpu.memory_space<vmem>>, vector<1000x128xf32>
    tpu.vector_store %arg4[%swap3A, %swap3A_12], %dot_general3A_11 {strides = array<i32>} : memref<1000x128xf32, #tpu.memory_space<vmem>>, vector<1000x128xf32>,
    return
  }
  func.func @transform_0(%arg0: i32) -> (i32, i32) {
    %c0_i32 = arith.constant 0 : i32
    %c0_i32_0 = arith.constant 0 : i32
    return %arg0, %c0_i32 : i32, i32
  }
  func.func @transform_1(%arg0: i32) -> (i32, i32) {
    %c0_i32 = arith.constant 0 : i32
    %c0_i32_0 = arith.constant 0 : i32
    return %arg0, %c0_i32 : i32, i32
  }
  func.func @transform_2(%arg0: i32) -> (i32, i32) {
    %c0_i32 = arith.constant 0 : i32
    %c0_i32_0 = arith.constant 0 : i32
    %c0_i32_1 = arith.constant 0 : i32
    return %c0_i32, %c0_i32_0 : i32, i32
  }
  func.func @transform_3(%arg0: i32) -> (i32, i32) {
    %c0_i32 = arith.constant 0 : i32
    %c0_i32_0 = arith.constant 0 : i32
    return %arg0, %c0_i32 : i32, i32
  }
}

module attributes {stable_mosaic.version = 14 : i64} {
  func.func @_tc_post_body(%arg0: i32, %arg1: memref<1000x128xf32, #tpu.memory_space<vmem>>, %arg2: memref<1000x1xf32, #tpu.memory_space<vmem>>, %arg3: memref<2x1000x128xf32, #tpu.memory_space<vmem>>, %arg4: memref<128x128xf32, #tpu.memory_space<vmem>>, %arg5: memref<1x128xf32, #tpu.memory_space<vmem>>, %arg6: memref<64x10xf32, #tpu.memory_space<vmem>>, %arg7: memref<1x10xf32, #tpu.memory_space<vmem>>, %arg8: memref<1000x10xf32, #tpu.memory_space<vmem>>) attributes {dimension_semantics = [#tpu.dimension_semantics<arbitrary>], iteration_bounds = array<i64: 10>, scalar_prefetch = 0 : i64, scratch_operands = 0 : i64, tpu.core_type = #tpu.core_type<tc>, window_params = [{transform_indices = @transform_0, window_bounds = array<i64: 1000, 128>}, {transform_indices = @transform_1, window_bounds = array<i64: 1000, 1>}, {transform_indices = @transform_2, window_bounds = array<i64: 2, 1000, 128>}, {pipeline_mode = #tpu.pipeline_mode<synchronous>, transform_indices = @transform_3, window_bounds = array<i64: 128, 128>}, {pipeline_mode = #tpu.pipeline_mode<synchronous>, transform_indices = @transform_4, window_bounds = array<i64: 1, 128>}, {pipeline_mode = #tpu.pipeline_mode<synchronous>, transform_indices = @transform_5, window_bounds = array<i64: 64, 10>}, {pipeline_mode = #tpu.pipeline_mode<synchronous>, transform_indices = @transform_6, window_bounds = array<i64: 1, 10>}, {transform_indices = @transform_7, window_bounds = array<i64: 1000, 10>}]} {
    %get3A = arith.constant 0 : index
    %get3A_0 = arith.constant 0 : index
    %get3A_1 = vector.load %arg2[%get3A, %get3A_0] : memref<1000x1xf32, #tpu.memory_space<vmem>>, vector<1000x1xf32>
    %gt3A = arith.constant 0.000000e+00 : f32
    %gt3A_2 = vector.broadcast %gt3A : f32 to vector<1000x1xf32>
    %gt3A_3 = arith.cmpf ogt, %get3A_1, %gt3A_2 : vector<1000x1xf32>
    %rsqrt3A = math.rsqrt %get3A_1 : vector<1000x1xf32>
    %jit3A = arith.constant 0.000000e+00 : f32
    %broadcast_in_dim3A = vector.broadcast %jit3A : f32 to vector<1000x1xf32>
    %select_n3A = arith.select %gt3A_3, %rsqrt3A, %broadcast_in_dim3A : vector<1000x1xi1>, vector<1000x1xf32>
    %get3A_4 = arith.constant 0 : index
    %get3A_5 = arith.constant 0 : index
    %get3A_6 = arith.constant 0 : index
    %get3A_7 = vector.load %arg3[%get3A_4, %get3A_5, %get3A_6] : memref<2x1000x128xf32, #tpu.memory_space<vmem>>, vector<1x1000x128xf32>
    %get3A_8 = vector.shape_cast %get3A_7 : vector<1x1000x128xf32> to vector<1000x128xf32>
    %get3A_9 = arith.constant 1 : index
    %get3A_10 = arith.constant 0 : index
    %get3A_11 = arith.constant 0 : index
    %get3A_12 = vector.load %arg3[%get3A_9, %get3A_10, %get3A_11] : memref<2x1000x128xf32, #tpu.memory_space<vmem>>, vector<1x1000x128xf32>
    %get3A_13 = vector.shape_cast %get3A_12 : vector<1x1000x128xf32> to vector<1000x128xf32>
    %add3A = arith.addf %get3A_8, %get3A_13 : vector<1000x128xf32>
    %get3A_14 = arith.constant 0 : index
    %get3A_15 = arith.constant 0 : index
    %get3A_16 = vector.load %arg1[%get3A_14, %get3A_15] : memref<1000x128xf32, #tpu.memory_space<vmem>>, vector<1000x128xf32>
    %get3A_17 = arith.constant 0 : index
    %get3A_18 = arith.constant 0 : index
    %get3A_19 = vector.load %arg4[%get3A_17, %get3A_18] : memref<128x128xf32, #tpu.memory_space<vmem>>, vector<128x128xf32>
    %dot_general3A = arith.constant dense<0.000000e+00> : vector<1000x128xf32>
    %dot_general3A_20 = tpu.matmul %get3A_16, %get3A_19, %dot_general3A {dimension_numbers = #tpu.dot_dimension_numbers<[1], [0], [0], [1], [0, 0, 1, 1], [], []>, transpose_lhs_hint = false} : vector<1000x128xf32>, vector<128x128xf32>, vector<1000x128xf32> -> vector<1000x128xf32>
    %get3A_21 = arith.constant 0 : index
    %get3A_22 = arith.constant 0 : index
    %get3A_23 = vector.load %arg5[%get3A_21, %get3A_22] : memref<1x128xf32, #tpu.memory_space<vmem>>, vector<1x128xf32>
    %add3A_24 = vector.broadcast %get3A_23 : vector<1x128xf32> to vector<1000x128xf32>
    %add3A_25 = arith.addf %dot_general3A_20, %add3A_24 : vector<1000x128xf32>
    %mul3A = vector.broadcast %select_n3A : vector<1000x1xf32> to vector<1000x128xf32>
    %mul3A_26 = arith.mulf %mul3A, %add3A : vector<1000x128xf32>
    %sub3A = arith.subf %add3A_25, %mul3A_26 : vector<1000x128xf32>
    %slice3A = vector.extract_strided_slice %sub3A {offsets = [0, 0], sizes = [1000, 64], strides = [1, 1]} : vector<1000x128xf32> to vector<1000x64xf32>
    %logistic3A = arith.negf %slice3A : vector<1000x64xf32>
    %logistic3A_27 = math.exp %logistic3A : vector<1000x64xf32>
    %logistic3A_28 = arith.constant 1.000000e+00 : f32
    %logistic3A_29 = vector.broadcast %logistic3A_28 : f32 to vector<1000x64xf32>
    %logistic3A_30 = arith.addf %logistic3A_29, %logistic3A_27 : vector<1000x64xf32>
    %logistic3A_31 = arith.divf %logistic3A_29, %logistic3A_30 : vector<1000x64xf32>
    %slice3A_32 = vector.extract_strided_slice %sub3A {offsets = [0, 64], sizes = [1000, 64], strides = [1, 1]} : vector<1000x128xf32> to vector<1000x64xf32>
    %tanh3A = math.tanh %slice3A_32 : vector<1000x64xf32>
    %sub3A_33 = arith.constant 1.000000e+00 : f32
    %sub3A_34 = vector.broadcast %sub3A_33 : f32 to vector<1000x64xf32>
    %sub3A_35 = arith.subf %sub3A_34, %logistic3A_31 : vector<1000x64xf32>
    %mul3A_36 = arith.mulf %sub3A_35, %tanh3A : vector<1000x64xf32>
    %get3A_37 = arith.constant 0 : index
    %get3A_38 = arith.constant 0 : index
    %get3A_39 = vector.load %arg6[%get3A_37, %get3A_38] : memref<64x10xf32, #tpu.memory_space<vmem>>, vector<64x10xf32>
    %dot_general3A_40 = arith.constant dense<0.000000e+00> : vector<1000x10xf32>
    %dot_general3A_41 = tpu.matmul %mul3A_36, %get3A_39, %dot_general3A_40 {dimension_numbers = #tpu.dot_dimension_numbers<[1], [0], [0], [1], [0, 0, 1, 1], [], []>, transpose_lhs_hint = false} : vector<1000x64xf32>, vector<64x10xf32>, vector<1000x10xf32> -> vector<1000x10xf32>
    %get3A_42 = arith.constant 0 : index
    %get3A_43 = arith.constant 0 : index
    %get3A_44 = vector.load %arg7[%get3A_42, %get3A_43] : memref<1x10xf32, #tpu.memory_space<vmem>>, vector<1x10xf32>
    %add3A_45 = vector.broadcast %get3A_44 : vector<1x10xf32> to vector<1000x10xf32>
    %add3A_46 = arith.addf %dot_general3A_41, %add3A_45 : vector<1000x10xf32>
    %swap3A = arith.constant 0 : index
    %swap3A_47 = arith.constant 0 : index
    %swap3A_48 = vector.load %arg8[%swap3A, %swap3A_47] : memref<1000x10xf32, #tpu.memory_space<vmem>>, vector<1000x10xf32>
    tpu.vector_store %arg8[%swap3A, %swap3A_47], %add3A_46 {strides = array<i32>} : memref<1000x10xf32, #tpu.memory_space<vmem>>, vector<1000x10xf32>,
    return
  }
  func.func @transform_0(%arg0: i32) -> (i32, i32) {
    %c0_i32 = arith.constant 0 : i32
    %c0_i32_0 = arith.constant 0 : i32
    return %arg0, %c0_i32 : i32, i32
  }
  func.func @transform_1(%arg0: i32) -> (i32, i32) {
    %c0_i32 = arith.constant 0 : i32
    %c0_i32_0 = arith.constant 0 : i32
    return %arg0, %c0_i32 : i32, i32
  }
  func.func @transform_2(%arg0: i32) -> (i32, i32, i32) {
    %c0_i32 = arith.constant 0 : i32
    %c0_i32_0 = arith.constant 0 : i32
    %c0_i32_1 = arith.constant 0 : i32
    return %c0_i32, %arg0, %c0_i32_0 : i32, i32, i32
  }
  func.func @transform_3(%arg0: i32) -> (i32, i32) {
    %c0_i32 = arith.constant 0 : i32
    %c0_i32_0 = arith.constant 0 : i32
    %c0_i32_1 = arith.constant 0 : i32
    return %c0_i32, %c0_i32_0 : i32, i32
  }
  func.func @transform_4(%arg0: i32) -> (i32, i32) {
    %c0_i32 = arith.constant 0 : i32
    %c0_i32_0 = arith.constant 0 : i32
    %c0_i32_1 = arith.constant 0 : i32
    return %c0_i32, %c0_i32_0 : i32, i32
  }
  func.func @transform_5(%arg0: i32) -> (i32, i32) {
    %c0_i32 = arith.constant 0 : i32
    %c0_i32_0 = arith.constant 0 : i32
    %c0_i32_1 = arith.constant 0 : i32
    return %c0_i32, %c0_i32_0 : i32, i32
  }
  func.func @transform_6(%arg0: i32) -> (i32, i32) {
    %c0_i32 = arith.constant 0 : i32
    %c0_i32_0 = arith.constant 0 : i32
    %c0_i32_1 = arith.constant 0 : i32
    return %c0_i32, %c0_i32_0 : i32, i32
  }
  func.func @transform_7(%arg0: i32) -> (i32, i32) {
    %c0_i32 = arith.constant 0 : i32
    %c0_i32_0 = arith.constant 0 : i32
    return %arg0, %c0_i32 : i32, i32
  }
}

</mosaic_0001>

<sc_bundles>
// kernel: kernel.6.cloned.1.call-start
scs
__scs_entry_jumppad:
0x0: {  	(pc) =	sbr.rel $0x88, $3  }
0x1: {  	(tag) =	ssettag $0x0;
	lr =	simm.s32 $0x1  }
0x2: {  	[smem:$0x3F9A] =	sst lr;
	_ =	strace $0xD0000000  }
0x3: {  	_ = 	snop  }
0x4: {  	_ = 	snop  }
0x5: {  	_ = 	snop  }
0x6: {  	_ = 	snop  }
0x7: {  	_ = 	snop  }
__scs_overlays_trampoline_lowered:
0x8: {  	[smem:$0x3FA9] =	sst s0  }
0x9: {  	[smem:$0x3FAA] =	sst s1  }
0xa: {  	[smem:$0x3FAB] =	sst s2  }
0xb: {  	[smem:$0x3FAC] =	sst s3  }
0xc: {  	[smem:$0x3FAD] =	sst s4  }
0xd: {  	[smem:$0x3FAE] =	sst s5  }
0xe: {  	[smem:$0x3FAF] =	sst s6  }
0xf: {  	[smem:$0x3FB0] =	sst s7  }
0x10: {  	[smem:$0x3FB1] =	sst s8  }
0x11: {  	[smem:$0x3FB2] =	sst s9;
	s0 =	simm.s32 @!p0 $0x0  }
0x12: {  	s1 =	sld [smem:$0x3F98];
	s0 =	simm.s32 @p0 $0x1  }
0x13: {  	[smem:$0x3FB3] =	sst s0;
	s0 =	simm.s32 @!p1 $0x0  }
0x14: {  	s2 =	sld [smem:$0x3F97];
	s0 =	simm.s32 @p1 $0x1  }
0x15: {  	[smem:$0x3FB4] =	sst s0;
	s0 =	simm.s32 @!p2 $0x0  }
0x16: {  	s3 =	sld [smem:$0x3FDB];
	s0 =	simm.s32 @p2 $0x1  }
0x17: {  	s4 =	simm.s32 $0x1BF5;
	[smem:$0x3FB6] =	sst s0  }
0x18: {  	s0 =	sld [smem:$0x3F99];
	_ =	swait.ge [sflag:s4], $0x0  }
0x19: {  	s7 =	sld [smem:$0x3F9A]  }
0x1a: {  	s8 =	sadd.s32 $0xFFFFE003, lr  }
0x1b: {  	s9 =	sadd.s32 $0xFFFFFEF7, lr;
	s5 =	simm.s32 $0xFFFFFFFF;
	p2 =	slt.u32 s8, $0xFFFFF086  }
0x1c: {  	p1 =	slt.u32 s9, $0xF7A;
	s5 =	simm.s32 @!p2 $0x0  }
0x1d: {  	s5 =	simm.s32 @p1 $0x1;
	p0 =	seq.s32 s7, s2  }
0x1e: {  	s7 =	smul.u32 @!p0 $0xF7A, s2;
	p2 =	seq.s32 @!p0 s5, $0x0  }
0x1f: {  	s9 =	smul.u32 $0xF7A, s1;
	s8 =	simm.s32 @!p0 $0x1BF5;
	p2 =	por !p2, p0  }
0x20: {  	[sflag:s8] =	ssyncset.s32 @!p0 $0xFFFFF086;
	s6 =	sadd.s32 @!p0 s3, s7;
	s7 =	simm.s32 @!p0 $0x108  }
0x21: {  	s3 =	sadd.s32 s3, s9;
	s6 =	sadd.s32 @!p0 $0x88, s6;
	s7 =	simm.s32 @p2 $0x1082  }
0x22: {  	[simem:s7], [sflag:s8] =	dma.local @!p0 [hbm:s6], $0xF7A  }
0x23: {  	s9 =	sor.u32 $0xD0000000, s2;
	s6 =	simm.s32 $0x108;
	_ =	swait.ge @!p0 [sflag:s8], $0x0  }
0x24: {  	s3 =	sadd.s32 $0x88, s3;
	s6 =	simm.s32 @!p1 $0x1082;
	[sflag:s4] =	ssyncset.s32 $0xFFFFF086  }
0x25: {  	[simem:s6], [sflag:s4] =	dma.local [hbm:s3], $0xF7A  }
0x26: {  	[smem:$0x3F9A] =	sst s1;
	(tag) =	ssettag s2;
	_ =	strace s9  }
0x27: {  	s1 =	sld [smem:$0x3FAA]  }
0x28: {  	s2 =	sld [smem:$0x3FAB]  }
0x29: {  	s4 =	sld [smem:$0x3FAD]  }
0x2a: {  	p0 =	seq.s32 s5, $0x0;
	s5 =	sld [smem:$0x3FAE]  }
0x2b: {  	s6 =	sld [smem:$0x3FAF]  }
0x2c: {  	s7 =	sld [smem:$0x3FB0]  }
0x2d: {  	s3 =	simm.s32 $0x108;
	s8 =	sld [smem:$0x3FB1]  }
0x2e: {  	s3 =	simm.s32 @!p0 $0x1082;
	s9 =	sld [smem:$0x3FB2]  }
0x2f: {  	lr =	sadd.s32 s0, s3;
	s0 =	sld [smem:$0x3FA9]  }
0x30: {  	s3 =	sld [smem:$0x3FAC]  }
0x31: {  	[smem:$0x3FB5] =	sst s10  }
0x32: {  	s10 =	sld [smem:$0x3FB3];
	_ =	sdelay $0x3  }
0x33: {  	p0 =	seq.s32 s10, $0x1;
	s10 =	sld [smem:$0x3FB5];
	_ =	sdelay $0x3  }
0x34: {  	[smem:$0x3FB5] =	sst s10  }
0x35: {  	s10 =	sld [smem:$0x3FB4];
	_ =	sdelay $0x3  }
0x36: {  	p1 =	seq.s32 s10, $0x1;
	s10 =	sld [smem:$0x3FB5];
	_ =	sdelay $0x3  }
0x37: {  	[smem:$0x3FB5] =	sst s10  }
0x38: {  	s10 =	sld [smem:$0x3FB6]  }
0x39: {  	_ = 	snop;
	(pc) =	sbr.ind lr, $3  }
0x3a: {  	_ = 	snop  }
0x3b: {  	_ = 	snop  }
0x3c: {  	p2 =	seq.s32 s10, $0x1;
	s10 =	sld [smem:$0x3FB5]  }
0x3d: {  	_ =	shalt  }
0x3e: {  	_ =	shalt  }
0x3f: {  	_ =	shalt  }
0x40: {  	_ =	shalt  }
0x41: {  	_ =	shalt  }
0x42: {  	_ =	shalt  }
0x43: {  	_ =	shalt  }
0x44: {  	_ =	shalt  }
0x45: {  	_ =	shalt  }
0x46: {  	_ =	shalt  }
0x47: {  	_ =	shalt  }
0x48: {  	_ =	shalt  }
0x49: {  	_ =	shalt  }
0x4a: {  	_ =	shalt  }
0x4b: {  	_ =	shalt  }
0x4c: {  	_ =	shalt  }
0x4d: {  	_ =	shalt  }
0x4e: {  	_ =	shalt  }
0x4f: {  	_ =	shalt  }
0x50: {  	_ =	shalt  }
0x51: {  	_ =	shalt  }
0x52: {  	_ =	shalt  }
0x53: {  	_ =	shalt  }
0x54: {  	_ =	shalt  }
0x55: {  	_ =	shalt  }
0x56: {  	_ =	shalt  }
0x57: {  	_ =	shalt  }
0x58: {  	_ =	shalt  }
0x59: {  	_ =	shalt  }
0x5a: {  	_ =	shalt  }
0x5b: {  	_ =	shalt  }
0x5c: {  	_ =	shalt  }
0x5d: {  	_ =	shalt  }
0x5e: {  	_ =	shalt  }
0x5f: {  	_ =	shalt  }
0x60: {  	_ =	shalt  }
0x61: {  	_ =	shalt  }
0x62: {  	_ =	shalt  }
0x63: {  	_ =	shalt  }
0x64: {  	_ =	shalt  }
0x65: {  	_ =	shalt  }
0x66: {  	_ =	shalt  }
0x67: {  	_ =	shalt  }
0x68: {  	_ =	shalt  }
0x69: {  	_ =	shalt  }
0x6a: {  	_ =	shalt  }
0x6b: {  	_ =	shalt  }
0x6c: {  	_ =	shalt  }
0x6d: {  	_ =	shalt  }
0x6e: {  	_ =	shalt  }
0x6f: {  	_ =	shalt  }
0x70: {  	_ =	shalt  }
0x71: {  	_ =	shalt  }
0x72: {  	_ =	shalt  }
0x73: {  	_ =	shalt  }
0x74: {  	_ =	shalt  }
0x75: {  	_ =	shalt  }
0x76: {  	_ =	shalt  }
0x77: {  	_ =	shalt  }
0x78: {  	_ =	shalt  }
0x79: {  	_ =	shalt  }
0x7a: {  	_ =	shalt  }
0x7b: {  	_ =	shalt  }
0x7c: {  	_ =	shalt  }
0x7d: {  	_ =	shalt  }
0x7e: {  	_ =	shalt  }
0x7f: {  	_ =	shalt  }
0x80: {  	_ =	shalt  }
0x81: {  	_ =	shalt  }
0x82: {  	_ =	shalt  }
0x83: {  	_ =	shalt  }
0x84: {  	_ =	shalt  }
0x85: {  	_ =	shalt  }
0x86: {  	_ =	shalt  }
0x87: {  	_ =	shalt  }
.Lfunc_end0:
.L_simem_size_0:
called_computation_lowered:
.L_overlay_start_0:
0x88: {  	s2 =	sld [smem:$0x3FD9]  }
0x89: {  	s3 =	sld [smem:$0x3FFE];
	_ =	sdelay $0x1  }
0x8a: {  	s1 =	srdreg.scid  }
0x8b: {  	s0 =	sand.u32 $0x1, s1  }
0x8c: {  	s17 =	sshll.u32 s0, $0xA;
	s2 =	sadd.s32 s3, s2  }
0x8d: {  	s2 =	sadd.s32 s2, s17  }
0x8e: {  	[smem:$0x3FC1] =	sst s2  }
0x8f: {  	_ = 	snop  }
0x90: {  	s2 =	sld [smem:$0x3FD0];
	(tm) =	ssettm $0x1  }
0x91: {  	s18 =	sld [smem:$0x3FFB];
	_ =	sdelay $0x3  }
0x92: {  	_ =	strace s18  }
0x93: {  	s3 =	sld [smem:$0x3FFC];
	_ =	sdelay $0x3  }
0x94: {  	_ =	strace s3  }
0x95: {  	s3 =	sld [smem:$0x3FFD];
	_ =	sdelay $0x3  }
0x96: {  	_ =	strace s3  }
0x97: {  	_ =	strace $0x8FFFFFFF  }
0x98: {  	s19 =	sld [smem:$0x3FDB];
	_ =	sdelay $0x1  }
0x99: {  	s4 =	simm.s32 $_scs_section_size  }
0x9a: {  	s5 =	simm.s32 $_size__tile_overlayer_lowered;
	s6 =	simm.s32 $_tile_overlayer_lowered  }
0x9b: {  	s22 =	simm.s32 $0x1BFF;
	s21 =	sshll.u32 s6, $0x1;
	s3 =	sadd.s32 s4, s19  }
0x9c: {  	s7 =	simm.s32 $0x0;
	s20 =	sshll.u32 s5, $0x1;
	s5 =	sadd.s32 s21, s3  }
0x9d: {  	[timem:s7], [sflag:s22] =	dma.local [hbm:s5], s20  }
0x9e: {  	_ =	swait.ge [sflag:s22], s20  }
0x9f: {  	s4 =	ssub.s32 $0x0, s20;
	[sflag:s22] =	ssyncset.done $0x0  }
0xa0: {  	[sflag:s22] =	ssyncadd.s32 s4;
	_ =	sdelay $0x1  }
0xa1: {  	s23 =	simm.s32 $0x1B8B  }
0xa2: {  	_ =	swait.ge [sflag:s23], $0x1  }
0xa3: {  	[sflag:s23] =	ssyncset.done $0x0  }
0xa4: {  	s25 =	simm.s32 $0x1B8E;
	s24 =	sld [smem:$0x3FFE];
	[sflag:s23] =	ssyncadd.s32 $0xFFFFFFFF  }
0xa5: {  	s26 =	simm.s32 $execute0_lowered;
	[smem:$0x3FD2] =	sst s25  }
0xa6: {  	s5 =	sshll.u32 s26, $0x1;
	_ =	strace $0x80000046;
	[dreg:$0x1] =	wrdreg $0xFFFFFFFF  }
0xa7: {  	s28 =	simm.s32 $_size_execute0_lowered;
	s3 =	sadd.s32 s3, s5;
	[dreg:$0x0] =	wrdreg $0x0  }
0xa8: {  	s5 =	sshll.u32 s28, $0x1;
	[dreg:$0x2] =	wrdreg s3  }
0xa9: {  	[dreg:$0x3] =	wrdreg s5  }
0xaa: {  	[dreg:$0x4] =	wrdreg $0xC0  }
0xab: {  	_ =	task [dreg:s7], $0x5FFFF  }
0xac: {  	[dreg:$0x1] =	wrdreg $0xFFFFFFFF  }
0xad: {  	[dreg:$0x0] =	wrdreg $0x60  }
0xae: {  	[dreg:$0x2] =	wrdreg s24  }
0xaf: {  	[dreg:$0x3] =	wrdreg s2  }
0xb0: {  	[dreg:$0x4] =	wrdreg $0xA0800  }
0xb1: {  	[dreg:$0x5] =	wrdreg $0x9  }
0xb2: {  	_ =	task.clear_ibuf [dreg:s7], $0x6FFFF;
	_ =	strace $0x90000046  }
0xb3: {  	s29 =	simm.s32 $0x9;
	_ =	strace $0x80000048  }
0xb4: {  	_ =	swait.ge [sflag:s29], $0x1  }
0xb5: {  	[sflag:s29] =	ssyncadd.s32 $0xFFFFFFFF  }
0xb6: {  	_ =	strace $0x90000048  }
0xb7: {  	_ =	sfence  }
0xb8: {  	s30 =	sld [smem:$0x0];
	_ =	sdelay $0x2  }
0xb9: {  	s31 =	sshll.u32 s1, $0xD;
	s1 =	sshrl.u32 s1, $0x2  }
0xba: {  	s3 =	sand.u32 $0x4000, s31;
	s1 =	sadd.s32 s1, s30  }
0xbb: {  	s0 =	sor.u32 s3, s0;
	s1 =	sshll.u32 s1, $0x11  }
0xbc: {  	s0 =	sor.u32 s1, s0  }
0xbd: {  	s0 =	sadd.s32 $0x8F2B, s0  }
0xbe: {  	[sflag:s0] =	ssyncadd.remote.s32 $0x1  }
0xbf: {  	_ =	sfence.sel $0xFFFF  }
0xc0: {  	[dreg:$0x0] =	wrdreg $0xFFFFFFFF;
	(pc) =	sbr.abs _section_cstart, $3  }
0xc1: {  	[dreg:$0x1] =	wrdreg $0xFFFFFFFF  }
0xc2: {  	_ =	task.clear_ibuf [dreg:s7], $0x2FFFF;
	_ =	strace $0x9FFFFFFF  }
0xc3: {  	(tm) =	ssettm $0x7FFFFFFF  }
tec
execute0_lowered:
.L_overlay_start_1:
0x0: {  	(tag) =	ssettag $0x1  }
0x1: {  	s0 =	rddreg [dreg:$0x0]  }
0x2: {  	s1 =	rddreg [dreg:$0x1]  }
0x3: {  	s2 =	rddreg [dreg:$0x2]  }
0x4: {  	s4 =	srdreg.scid;
	s9 =	stileid.u32  }
0x5: {  	s3 =	simm.s32 $0x0;
	s19 =	simm.s32 $0x1;
	s20 =	simm.s32 $0x5000  }
0x6: {  	s22 =	simm.s32 $0x6000;
	s28 =	simm.s32 $0x9000;
	s29 =	simm.s32 $0x50  }
0x7: {  	s30 =	simm.s32 $0xA000;
	s15 =	simm.s32 $0x0;
	s6 =	sand.u32 $0x1, s4  }
0x8: {  	s23 =	sshll.u32 s9, $0x1;
	[smem:$0x7FF] =	sst s3;
	s8 =	smul.u32 $0xA00, s9  }
0x9: {  	s24 =	sadd.s32 $0x29C00, s0;
	s9 =	smul.u32 $0x500, s9;
	s4 =	sor.u32 s6, s23  }
0xa: {  	_ =	strace $0x80000047;
	[dreg:$0x4] =	wrdreg s24;
	s7 =	ssub.s32 $0x2, s6  }
0xb: {  	s31 =	sshll.u32 s6, $0x7;
	s24 =	simm.s32 $0x7000;
	s5 =	smul.u32 $0xA00, s4  }
0xc: {  	s25 =	sshrl.u32 s7, $0x1;
	s8 =	sshrl.u32 s8, $0x2;
	s9 =	sor.u32 s31, s9  }
0xd: {  	s10 =	ssub.s32 s7, s25;
	s8 =	sadd.s32 s8, s2;
	s9 =	sshrl.u32 s9, $0x3  }
0xe: {  	s0 =	sadd.s32 s5, s0;
	s9 =	sadd.s32 s1, s9;
	s10 =	smax.u32 s10, $0x1  }
0xf: {  	s26 =	sadd.s32 $0x1C00, s0;
	s6 =	sadd.s32 $0x15C00, s0;
	s7 =	sadd.s32 $0x29E00, s0  }
0x10: {  	s11 =	sadd.s32 $0x1E00, s0;
	s12 =	sadd.s32 $0x2000, s0;
	s13 =	sadd.s32 $0x2200, s0  }
0x11: {  	s14 =	sadd.s32 $0x2400, s0;
	[dreg:$0x5] =	wrdreg s26;
	s21 =	sadd.s32 $0x200, s6  }
0x12: {  	v0 =	vimm.f32 $1.000000000e+00;
	s23 =	sadd.s32 $0x400, s6;
	s25 =	sadd.s32 $0x600, s6;
	s26 =	simm.s32 $0x8000  }
.LBB2_1:
0x13: {  	s0 =	rddreg [dreg:$0x5]  }
0x14: {  	[tilespmem:s3], [sflag:$0x1] =	stream.linear.gather [hbm4b:s0+s3], $0xC80, $0x38;
	[tilespmem:$0xA300] =	vst v63  }
0x15: {  	s31 =	simm.s32 $0x1000  }
0x16: {  	[tilespmem:s31], [sflag:$0x1] =	stream.linear.gather [hbm4b:s11+s3], $0xC80, $0x38;
	[tilespmem:$0xA300] =	vst v63  }
0x17: {  	s1 =	simm.s32 $0x2000  }
0x18: {  	[tilespmem:s1], [sflag:$0x1] =	stream.linear.gather [hbm4b:s12+s3], $0xC80, $0x38;
	[tilespmem:$0xA300] =	vst v63  }
0x19: {  	s4 =	simm.s32 $0x3000  }
0x1a: {  	[tilespmem:s4], [sflag:$0x1] =	stream.linear.gather [hbm4b:s13+s3], $0xC80, $0x38;
	[tilespmem:$0xA300] =	vst v63  }
0x1b: {  	s5 =	simm.s32 $0x4000  }
0x1c: {  	[tilespmem:s5], [sflag:$0x1] =	stream.linear.gather [hbm4b:s14+s3], $0xC80, $0x38;
	[tilespmem:$0xA300] =	vst v63  }
0x1d: {  	_ =	swait.ge [sflag:s19], $0x3E80  }
0x1e: {  	[sflag:s19] =	ssyncset.done $0x0  }
0x1f: {  	[sflag:s19] =	ssyncadd.s32 $0xFFFFC180  }
0x20: {  	[tilespmem:s20], [sflag:$0x1] =	stream.linear.gather [hbm4b:s6+s3], $0xC80, $0x38;
	[tilespmem:$0xA300] =	vst v63  }
0x21: {  	_ = 	snop  }
0x22: {  	[tilespmem:s22], [sflag:$0x1] =	stream.linear.gather [hbm4b:s21+s3], $0xC80, $0x38;
	[tilespmem:$0xA300] =	vst v63  }
0x23: {  	_ = 	snop  }
0x24: {  	[tilespmem:s24], [sflag:$0x1] =	stream.linear.gather [hbm4b:s23+s3], $0xC80, $0x38;
	[tilespmem:$0xA300] =	vst v63  }
0x25: {  	_ = 	snop  }
0x26: {  	[tilespmem:s26], [sflag:$0x1] =	stream.linear.gather [hbm4b:s25+s3], $0xC80, $0x38;
	[tilespmem:$0xA300] =	vst v63  }
0x27: {  	s16 =	sadd.s32 $0x800, s6;
	s1 =	smul.u32 $0x29, s3  }
0x28: {  	[tilespmem:s28], [sflag:$0x1] =	stream.linear.gather [hbm4b:s16+s3], $0xC80, $0x38;
	[tilespmem:$0xA300] =	vst v63  }
0x29: {  	s17 =	sshrl.u32 s1, $0xA;
	_ =	swait.ge [sflag:s19], $0x3E80  }
0x2a: {  	s0 =	sand.u32 $0x3F, s17;
	[sflag:s19] =	ssyncset.done $0x0  }
0x2b: {  	s0 =	smul.u32 $0x19, s0;
	[sflag:s19] =	ssyncadd.s32 $0xFFFFC180  }
0x2c: {  	[tilespmem:$0xA000] =	vst v0  }
0x2d: {  	s0 =	ssub.s32 $0x0, s0;
	[tilespmem:$0xA010] =	vst v0  }
0x2e: {  	s1 =	sshll.u32 s1, $0x2;
	s0 =	sand.u32 $0xFF, s0;
	[tilespmem:$0xA020] =	vst v0  }
0x2f: {  	s1 =	sand.u32 $0x3F000, s1;
	s0 =	sshll.u32 s0, $0x7;
	s16 =	simm.s32 $0x1;
	[tilespmem:$0xA030] =	vst v0  }
0x30: {  	s17 =	sor.u32 s0, s1;
	s18 =	smul.u32 $0x29, s16;
	[tilespmem:$0xA040] =	vst v0  }
0x31: {  	v8 =	vld [tilespmem:s17+$0x40]  }
0x32: {  	s31 =	sshrl.u32 s18, $0xA;
	v10 =	vld [tilespmem:s17+$0x5040]  }
0x33: {  	s1 =	sand.u32 $0x3F, s31;
	v4 =	vld [tilespmem:s17+$0x5030]  }
0x34: {  	s1 =	smul.u32 $0x19, s1;
	v3 =	vld [tilespmem:s17+$0x20]  }
0x35: {  	v7 =	vld [tilespmem:s17+$0x30]  }
0x36: {  	v6 =	vld [tilespmem:s17+$0x5020];
	s1 =	ssub.s32 $0x1, s1  }
0x37: {  	s0 =	sshll.u32 s18, $0x2;
	v2 =	vld [tilespmem:s17+$0x10];
	s1 =	sand.u32 $0xFF, s1  }
0x38: {  	s0 =	sand.u32 $0x3F000, s0;
	v1 =	vld [tilespmem:s17+$0x0];
	s1 =	sshll.u32 s1, $0x7;
	vm0 =	veq.s32 v8, v10  }
0x39: {  	s18 =	simm.s32 $0x2;
	v5 =	vld [tilespmem:s17+$0x5010];
	s16 =	sor.u32 s1, s0;
	v9 =	vsel vm0, $0x2710, v8;
	v8 =	vsel vm0, $0x2710, v10  }
.LBB2_2:
0x3a: {  	s0 =	smul.u32 $0x29, s18  }
0x3b: {  	p0 =	sne.s32 s18, $0x7C;
	v10 =	vld [tilespmem:s17+$0x5000];
	vm0 =	veq.s32 v7, v4;
	[tilespmem:s17+$0x40] =	vst v9;
	s1 =	smov.u32 s18;
	s18 =	sadd.s32 $0x1, s18  }
0x3c: {  	v9 =	vld [tilespmem:s16+$0x40];
	vm1 =	veq.s32 v3, v6;
	v7 =	vsel vm0, $0x2710, v7;
	v4 =	vsel vm0, $0x2710, v4;
	[tilespmem:s17+$0x5040] =	vst v8  }
0x3d: {  	s31 =	sshrl.u32 s0, $0xA;
	s0 =	sshll.u32 s0, $0x2;
	v8 =	vld [tilespmem:s16+$0x5040];
	v3 =	vsel vm1, $0x2710, v3;
	v6 =	vsel vm1, $0x2710, v6;
	[tilespmem:s17+$0x5030] =	vst v4  }
0x3e: {  	s31 =	sand.u32 $0x3F, s31;
	v4 =	vld [tilespmem:s16+$0x5030];
	[tilespmem:s17+$0x20] =	vst v3  }
0x3f: {  	s31 =	smul.u32 $0x19, s31;
	v3 =	vld [tilespmem:s16+$0x20];
	vm0 =	veq.s32 v2, v5;
	[tilespmem:s17+$0x30] =	vst v7  }
.Ltmp0:
0x40: {  	v7 =	vld [tilespmem:s16+$0x30];
	vm1 =	veq.s32 v1, v10;
	v2 =	vsel vm0, $0x2710, v2;
	v5 =	vsel vm0, $0x2710, v5;
	[tilespmem:s17+$0x5020] =	vst v6;
	(pc) =	sbr.rel @p0 .LBB2_2-.Ltmp0, $4  }
0x41: {  	s1 =	ssub.s32 s1, s31;
	v6 =	vld [tilespmem:s16+$0x5020];
	v1 =	vsel vm1, $0x2710, v1;
	v10 =	vsel vm1, $0x2710, v10;
	[tilespmem:s17+$0x10] =	vst v2  }
0x42: {  	s1 =	sand.u32 $0xFF, s1;
	v2 =	vld [tilespmem:s16+$0x10];
	[tilespmem:s17+$0x0] =	vst v1  }
0x43: {  	s0 =	sand.u32 $0x3F000, s0;
	vm0 =	veq.s32 v9, v8;
	s1 =	sshll.u32 s1, $0x7;
	v1 =	vld [tilespmem:s16+$0x0];
	[tilespmem:s17+$0x5010] =	vst v5  }
0x44: {  	v9 =	vsel vm0, $0x2710, v9;
	v8 =	vsel vm0, $0x2710, v8;
	v5 =	vld [tilespmem:s16+$0x5010];
	[tilespmem:s17+$0x5000] =	vst v10;
	s17 =	smov.u32 s16;
	s16 =	sor.u32 s1, s0  }
0x45: {  	v10 =	vld [tilespmem:s17+$0x5000];
	[tilespmem:s17+$0x40] =	vst v9;
	vm0 =	veq.s32 v7, v4  }
0x46: {  	v9 =	vld [tilespmem:s16+$0x40];
	[tilespmem:s17+$0x5040] =	vst v8;
	v4 =	vsel vm0, $0x2710, v4;
	vm1 =	veq.s32 v3, v6  }
0x47: {  	v8 =	vld [tilespmem:s16+$0x5040];
	[tilespmem:s17+$0x5030] =	vst v4;
	v3 =	vsel vm1, $0x2710, v3  }
0x48: {  	v4 =	vld [tilespmem:s16+$0x5030];
	[tilespmem:s17+$0x20] =	vst v3;
	v3 =	vsel vm0, $0x2710, v7  }
0x49: {  	v58 =	vld [tilespmem:s16+$0x20];
	[tilespmem:s17+$0x30] =	vst v3;
	v3 =	vsel vm1, $0x2710, v6;
	vm9 =	veq.s32 v2, v5  }
0x4a: {  	v59 =	vld [tilespmem:s16+$0x30];
	[tilespmem:s17+$0x5020] =	vst v3;
	v2 =	vsel vm9, $0x2710, v2;
	vm10 =	veq.s32 v1, v10  }
0x4b: {  	v3 =	vld [tilespmem:s16+$0x5020];
	[tilespmem:s17+$0x10] =	vst v2;
	v1 =	vsel vm10, $0x2710, v1  }
0x4c: {  	v2 =	vld [tilespmem:s16+$0x10];
	[tilespmem:s17+$0x0] =	vst v1;
	v1 =	vsel vm9, $0x2710, v5  }
0x4d: {  	vm11 =	veq.s32 v9, v8;
	v60 =	vld [tilespmem:s16+$0x0];
	[tilespmem:s17+$0x5010] =	vst v1;
	v1 =	vsel vm10, $0x2710, v10  }
0x4e: {  	v8 =	vsel vm11, $0x2710, v8;
	v61 =	vld [tilespmem:s16+$0x5010];
	[tilespmem:s17+$0x5000] =	vst v1  }
0x4f: {  	v1 =	vsel vm11, $0x2710, v9;
	[tilespmem:s16+$0x5040] =	vst v8;
	v62 =	vld [tilespmem:s16+$0x5000];
	vm12 =	veq.s32 v59, v4  }
0x50: {  	[tilespmem:s16+$0x40] =	vst v1;
	vm13 =	veq.s32 v58, v3;
	v1 =	vsel vm12, $0x2710, v4  }
0x51: {  	v63 =	vsel vm13, $0x2710, v58;
	[tilespmem:s16+$0x5030] =	vst v1  }
0x52: {  	v1 =	vsel vm12, $0x2710, v59;
	[tilespmem:s16+$0x20] =	vst v63  }
0x53: {  	v3 =	vsel vm13, $0x2710, v3;
	[tilespmem:s16+$0x30] =	vst v1;
	vm14 =	veq.s32 v2, v61  }
0x54: {  	[tilespmem:s16+$0x5020] =	vst v3;
	vm15 =	veq.s32 v60, v62;
	v1 =	vsel vm14, $0x2710, v2  }
0x55: {  	v2 =	vsel vm15, $0x2710, v60;
	[tilespmem:s16+$0x10] =	vst v1  }
0x56: {  	v1 =	vsel vm14, $0x2710, v61;
	[tilespmem:s16+$0x0] =	vst v2  }
0x57: {  	v2 =	vsel vm15, $0x2710, v62;
	[tilespmem:s16+$0x5010] =	vst v1  }
0x58: {  	s0 =	simm.s32 $0x0;
	[tilespmem:s16+$0x5000] =	vst v2  }
0x59: {  	[hbm4b:s7+s0] =	stream.linear.scatter [tilespmem:s20], [sflag:$0x1], $0xC80, $0x38;
	[tilespmem:$0xA300] =	vst v63  }
0x5a: {  	s1 =	sadd.s32 $0x200, s7  }
0x5b: {  	[hbm4b:s1+s0] =	stream.linear.scatter [tilespmem:s22], [sflag:$0x1], $0xC80, $0x38;
	[tilespmem:$0xA300] =	vst v63  }
0x5c: {  	s4 =	sadd.s32 $0x400, s7  }
0x5d: {  	[hbm4b:s4+s0] =	stream.linear.scatter [tilespmem:s24], [sflag:$0x1], $0xC80, $0x38;
	[tilespmem:$0xA300] =	vst v63  }
0x5e: {  	s5 =	sadd.s32 $0x600, s7  }
0x5f: {  	[hbm4b:s5+s0] =	stream.linear.scatter [tilespmem:s26], [sflag:$0x1], $0xC80, $0x38;
	[tilespmem:$0xA300] =	vst v63  }
0x60: {  	s16 =	sadd.s32 $0x800, s7  }
0x61: {  	[hbm4b:s16+s0] =	stream.linear.scatter [tilespmem:s28], [sflag:$0x1], $0xC80, $0x38;
	[tilespmem:$0xA300] =	vst v63  }
0x62: {  	s17 =	stileid.u32;
	s0 =	smul.u32 $0x29, s0  }
0x63: {  	s1 =	sshll.u32 s17, $0x6;
	s17 =	sshrl.u32 s8, $0x3;
	_ =	swait.ge [sflag:s19], $0x3E80  }
0x64: {  	s16 =	sor.u32 $0x1C01, s1;
	[sflag:s19] =	ssyncset.done $0x0;
	s4 =	sshrl.u32 s0, $0xA  }
0x65: {  	s18 =	rddreg [dreg:$0x4];
	[sflag:s19] =	ssyncadd.s32 $0xFFFFC180;
	s1 =	sand.u32 $0x3F, s4  }
0x66: {  	[spmem:s17], [sflag:s16] =	dma.local [hbm:s18], $0x50  }
0x67: {  	s1 =	smul.u32 $0x19, s1  }
0x68: {  	s0 =	sshll.u32 s0, $0x2;
	s18 =	simm.s32 $0x1  }
0x69: {  	_ =	swait.ge [sflag:s19], $0x50;
	s31 =	smul.u32 $0x29, s18;
	s1 =	ssub.s32 $0x0, s1  }
0x6a: {  	s0 =	sand.u32 $0x3F000, s0;
	[sflag:s19] =	ssyncset.done $0x0;
	s1 =	sand.u32 $0xFF, s1  }
0x6b: {  	[sflag:s19] =	ssyncadd.s32 $0xFFFFFFB0;
	s4 =	sshrl.u32 s31, $0xA;
	s1 =	sshll.u32 s1, $0x7  }
0x6c: {  	[bflag:$0x0] =	sbarrier.arrive $0xFFFF;
	s5 =	sand.u32 $0x3F, s4;
	s0 =	sor.u32 s1, s0  }
0x6d: {  	[spmem:s2] =	stream.indirect.scatter.add.f32 [tilespmem:s30], [sflag:$0x1], $0x1, s0, s29, $0xb8;
	[tilespmem:$0xA300] =	vst v63  }
0x6e: {  	s1 =	simm.s32 $0x2;
	s0 =	smul.u32 $0x19, s5  }
.LBB2_4:
0x6f: {  	s4 =	smul.u32 $0x29, s1  }
0x70: {  	p0 =	sne.s32 s1, $0x7C;
	s31 =	sshll.u32 s31, $0x2  }
0x71: {  	s0 =	ssub.s32 s18, s0;
	s18 =	smov.u32 s1;
	s5 =	sshrl.u32 s4, $0xA  }
.Ltmp1:
0x72: {  	s0 =	sand.u32 $0xFF, s0;
	_ =	swait.ge [sflag:s19], $0x50;
	(pc) =	sbr.rel @p0 .LBB2_4-.Ltmp1, $4  }
0x73: {  	s31 =	sand.u32 $0x3F000, s31;
	s0 =	sshll.u32 s0, $0x7;
	[sflag:s19] =	ssyncset.done $0x0  }
0x74: {  	s5 =	sand.u32 $0x3F, s5;
	s0 =	sor.u32 s0, s31;
	[sflag:s19] =	ssyncadd.s32 $0xFFFFFFB0  }
0x75: {  	[spmem:s2] =	stream.indirect.scatter.add.f32 [tilespmem:s30], [sflag:$0x1], $0x1, s0, s29, $0xb8;
	[tilespmem:$0xA300] =	vst v63  }
0x76: {  	s1 =	sadd.s32 $0x1, s1;
	s31 =	smov.u32 s4;
	s0 =	smul.u32 $0x19, s5  }
0x77: {  	_ = 	snop  }
0x78: {  	s0 =	ssub.s32 s18, s0  }
0x79: {  	s1 =	sshll.u32 s31, $0x2;
	_ =	swait.ge [sflag:s19], $0x50;
	s0 =	sand.u32 $0xFF, s0  }
0x7a: {  	s1 =	sand.u32 $0x3F000, s1;
	[sflag:s19] =	ssyncset.done $0x0;
	s0 =	sshll.u32 s0, $0x7  }
0x7b: {  	[sflag:s19] =	ssyncadd.s32 $0xFFFFFFB0;
	s0 =	sor.u32 s0, s1  }
0x7c: {  	[spmem:s2] =	stream.indirect.scatter.add.f32 [tilespmem:s30], [sflag:$0x1], $0x1, s0, s29, $0xb8;
	[tilespmem:$0xA300] =	vst v63  }
0x7d: {  	_ =	swait.ge [sflag:s19], $0x50  }
0x7e: {  	s15 =	sadd.s32 $0x1, s15;
	[sflag:s19] =	ssyncset.done $0x0  }
0x7f: {  	s31 =	simm.s32 $0x10;
	p0 =	sne.s32 s15, s10;
	[sflag:s19] =	ssyncadd.s32 $0xFFFFFFB0  }
.Ltmp2:
0x80: {  	s18 =	simm.s32 $0x20;
	[bflag:$0x0] =	sbarrier.arrive $0xFFFF;
	(pc) =	sbr.rel @p0 .LBB2_1-.Ltmp2, $4  }
0x81: {  	[hbm:s9@s18], [sflag:s16] =	dma.strided [spmem:s17@s31], $0x50, s19, $0x10   }
0x82: {  	_ =	swait.ge [sflag:s19], $0x50  }
0x83: {  	[sflag:s19] =	ssyncset.done $0x0  }
0x84: {  	[sflag:s19] =	ssyncadd.s32 $0xFFFFFFB0  }
0x85: {  	_ =	sfence.sel $0x180000  }
0x86: {  	[bflag:$0x0] =	sbarrier.arrive $0xFFFF  }
0x87: {  	_ =	strace $0x90000047  }
0x88: {  	s0 =	stileid.u32;
	[bflag:$0x2] =	sbarrier.arrive $0xFFFF  }
0x89: {  	p0 =	sne.s32 s0, $0x0;
	s0 =	rddreg [dreg:$0x3]  }
0x8a: {  	s0 =	sadd.s32 @!p0 $0x100000, s0  }
0x8b: {  	[sflag:s0] =	ssyncadd.tile.s32 @!p0 $0x1;
	_ =	shalt  }
.Lfunc_end2:
_tile_overlayer_lowered:
.L_overlay_start_2:
0x8c: {  	(tag) =	ssettag $0x2  }
0x8d: {  	s0 =	rddreg [dreg:$0x0];
	s2 =	stileid.u32  }
0x8e: {  	s1 =	rddreg [dreg:$0x1];
	p0 =	sne.s32 s2, $0x0  }
0x8f: {  	s3 =	rddreg [dreg:$0x2];
	[bflag:$0x3] =	sbarrier.arrive $0xFFFF;
	s2 =	simm.s32 @!p0 $0x1C01  }
0x90: {  	[timem:s3], [sflag:s2] =	dma.local @!p0 [hbm:s0], s1  }
0x91: {  	s0 =	simm.s32 @!p0 $0x1  }
0x92: {  	_ =	swait.ge @!p0 [sflag:s0], s1  }
0x93: {  	s1 =	ssub.s32 @!p0 $0x0, s1;
	[sflag:s0] =	ssyncset.done @!p0 $0x0  }
0x94: {  	[sflag:s0] =	ssyncadd.s32 @!p0 s1  }
0x95: {  	[bflag:$0x3] =	sbarrier.arrive $0xFFFF  }
0x96: {  	_ =	shalt  }

// kernel: kernel.9.cloned.1.call-start
scs
__scs_entry_jumppad:
0x0: {  	(pc) =	sbr.rel $0x88, $3  }
0x1: {  	(tag) =	ssettag $0x0;
	lr =	simm.s32 $0x1  }
0x2: {  	[smem:$0x3F9A] =	sst lr;
	_ =	strace $0xD0000000  }
0x3: {  	_ = 	snop  }
0x4: {  	_ = 	snop  }
0x5: {  	_ = 	snop  }
0x6: {  	_ = 	snop  }
0x7: {  	_ = 	snop  }
__scs_overlays_trampoline_lowered:
0x8: {  	[smem:$0x3FA9] =	sst s0  }
0x9: {  	[smem:$0x3FAA] =	sst s1  }
0xa: {  	[smem:$0x3FAB] =	sst s2  }
0xb: {  	[smem:$0x3FAC] =	sst s3  }
0xc: {  	[smem:$0x3FAD] =	sst s4  }
0xd: {  	[smem:$0x3FAE] =	sst s5  }
0xe: {  	[smem:$0x3FAF] =	sst s6  }
0xf: {  	[smem:$0x3FB0] =	sst s7  }
0x10: {  	[smem:$0x3FB1] =	sst s8  }
0x11: {  	[smem:$0x3FB2] =	sst s9;
	s0 =	simm.s32 @!p0 $0x0  }
0x12: {  	s1 =	sld [smem:$0x3F98];
	s0 =	simm.s32 @p0 $0x1  }
0x13: {  	[smem:$0x3FB3] =	sst s0;
	s0 =	simm.s32 @!p1 $0x0  }
0x14: {  	s2 =	sld [smem:$0x3F97];
	s0 =	simm.s32 @p1 $0x1  }
0x15: {  	[smem:$0x3FB4] =	sst s0;
	s0 =	simm.s32 @!p2 $0x0  }
0x16: {  	s3 =	sld [smem:$0x3FDB];
	s0 =	simm.s32 @p2 $0x1  }
0x17: {  	s4 =	simm.s32 $0x1BF5;
	[smem:$0x3FB6] =	sst s0  }
0x18: {  	s0 =	sld [smem:$0x3F99];
	_ =	swait.ge [sflag:s4], $0x0  }
0x19: {  	s7 =	sld [smem:$0x3F9A]  }
0x1a: {  	s8 =	sadd.s32 $0xFFFFE003, lr  }
0x1b: {  	s9 =	sadd.s32 $0xFFFFFEF7, lr;
	s5 =	simm.s32 $0xFFFFFFFF;
	p2 =	slt.u32 s8, $0xFFFFF086  }
0x1c: {  	p1 =	slt.u32 s9, $0xF7A;
	s5 =	simm.s32 @!p2 $0x0  }
0x1d: {  	s5 =	simm.s32 @p1 $0x1;
	p0 =	seq.s32 s7, s2  }
0x1e: {  	s7 =	smul.u32 @!p0 $0xF7A, s2;
	p2 =	seq.s32 @!p0 s5, $0x0  }
0x1f: {  	s9 =	smul.u32 $0xF7A, s1;
	s8 =	simm.s32 @!p0 $0x1BF5;
	p2 =	por !p2, p0  }
0x20: {  	[sflag:s8] =	ssyncset.s32 @!p0 $0xFFFFF086;
	s6 =	sadd.s32 @!p0 s3, s7;
	s7 =	simm.s32 @!p0 $0x108  }
0x21: {  	s3 =	sadd.s32 s3, s9;
	s6 =	sadd.s32 @!p0 $0x88, s6;
	s7 =	simm.s32 @p2 $0x1082  }
0x22: {  	[simem:s7], [sflag:s8] =	dma.local @!p0 [hbm:s6], $0xF7A  }
0x23: {  	s9 =	sor.u32 $0xD0000000, s2;
	s6 =	simm.s32 $0x108;
	_ =	swait.ge @!p0 [sflag:s8], $0x0  }
0x24: {  	s3 =	sadd.s32 $0x88, s3;
	s6 =	simm.s32 @!p1 $0x1082;
	[sflag:s4] =	ssyncset.s32 $0xFFFFF086  }
0x25: {  	[simem:s6], [sflag:s4] =	dma.local [hbm:s3], $0xF7A  }
0x26: {  	[smem:$0x3F9A] =	sst s1;
	(tag) =	ssettag s2;
	_ =	strace s9  }
0x27: {  	s1 =	sld [smem:$0x3FAA]  }
0x28: {  	s2 =	sld [smem:$0x3FAB]  }
0x29: {  	s4 =	sld [smem:$0x3FAD]  }
0x2a: {  	p0 =	seq.s32 s5, $0x0;
	s5 =	sld [smem:$0x3FAE]  }
0x2b: {  	s6 =	sld [smem:$0x3FAF]  }
0x2c: {  	s7 =	sld [smem:$0x3FB0]  }
0x2d: {  	s3 =	simm.s32 $0x108;
	s8 =	sld [smem:$0x3FB1]  }
0x2e: {  	s3 =	simm.s32 @!p0 $0x1082;
	s9 =	sld [smem:$0x3FB2]  }
0x2f: {  	lr =	sadd.s32 s0, s3;
	s0 =	sld [smem:$0x3FA9]  }
0x30: {  	s3 =	sld [smem:$0x3FAC]  }
0x31: {  	[smem:$0x3FB5] =	sst s10  }
0x32: {  	s10 =	sld [smem:$0x3FB3];
	_ =	sdelay $0x3  }
0x33: {  	p0 =	seq.s32 s10, $0x1;
	s10 =	sld [smem:$0x3FB5];
	_ =	sdelay $0x3  }
0x34: {  	[smem:$0x3FB5] =	sst s10  }
0x35: {  	s10 =	sld [smem:$0x3FB4];
	_ =	sdelay $0x3  }
0x36: {  	p1 =	seq.s32 s10, $0x1;
	s10 =	sld [smem:$0x3FB5];
	_ =	sdelay $0x3  }
0x37: {  	[smem:$0x3FB5] =	sst s10  }
0x38: {  	s10 =	sld [smem:$0x3FB6]  }
0x39: {  	_ = 	snop;
	(pc) =	sbr.ind lr, $3  }
0x3a: {  	_ = 	snop  }
0x3b: {  	_ = 	snop  }
0x3c: {  	p2 =	seq.s32 s10, $0x1;
	s10 =	sld [smem:$0x3FB5]  }
0x3d: {  	_ =	shalt  }
0x3e: {  	_ =	shalt  }
0x3f: {  	_ =	shalt  }
0x40: {  	_ =	shalt  }
0x41: {  	_ =	shalt  }
0x42: {  	_ =	shalt  }
0x43: {  	_ =	shalt  }
0x44: {  	_ =	shalt  }
0x45: {  	_ =	shalt  }
0x46: {  	_ =	shalt  }
0x47: {  	_ =	shalt  }
0x48: {  	_ =	shalt  }
0x49: {  	_ =	shalt  }
0x4a: {  	_ =	shalt  }
0x4b: {  	_ =	shalt  }
0x4c: {  	_ =	shalt  }
0x4d: {  	_ =	shalt  }
0x4e: {  	_ =	shalt  }
0x4f: {  	_ =	shalt  }
0x50: {  	_ =	shalt  }
0x51: {  	_ =	shalt  }
0x52: {  	_ =	shalt  }
0x53: {  	_ =	shalt  }
0x54: {  	_ =	shalt  }
0x55: {  	_ =	shalt  }
0x56: {  	_ =	shalt  }
0x57: {  	_ =	shalt  }
0x58: {  	_ =	shalt  }
0x59: {  	_ =	shalt  }
0x5a: {  	_ =	shalt  }
0x5b: {  	_ =	shalt  }
0x5c: {  	_ =	shalt  }
0x5d: {  	_ =	shalt  }
0x5e: {  	_ =	shalt  }
0x5f: {  	_ =	shalt  }
0x60: {  	_ =	shalt  }
0x61: {  	_ =	shalt  }
0x62: {  	_ =	shalt  }
0x63: {  	_ =	shalt  }
0x64: {  	_ =	shalt  }
0x65: {  	_ =	shalt  }
0x66: {  	_ =	shalt  }
0x67: {  	_ =	shalt  }
0x68: {  	_ =	shalt  }
0x69: {  	_ =	shalt  }
0x6a: {  	_ =	shalt  }
0x6b: {  	_ =	shalt  }
0x6c: {  	_ =	shalt  }
0x6d: {  	_ =	shalt  }
0x6e: {  	_ =	shalt  }
0x6f: {  	_ =	shalt  }
0x70: {  	_ =	shalt  }
0x71: {  	_ =	shalt  }
0x72: {  	_ =	shalt  }
0x73: {  	_ =	shalt  }
0x74: {  	_ =	shalt  }
0x75: {  	_ =	shalt  }
0x76: {  	_ =	shalt  }
0x77: {  	_ =	shalt  }
0x78: {  	_ =	shalt  }
0x79: {  	_ =	shalt  }
0x7a: {  	_ =	shalt  }
0x7b: {  	_ =	shalt  }
0x7c: {  	_ =	shalt  }
0x7d: {  	_ =	shalt  }
0x7e: {  	_ =	shalt  }
0x7f: {  	_ =	shalt  }
0x80: {  	_ =	shalt  }
0x81: {  	_ =	shalt  }
0x82: {  	_ =	shalt  }
0x83: {  	_ =	shalt  }
0x84: {  	_ =	shalt  }
0x85: {  	_ =	shalt  }
0x86: {  	_ =	shalt  }
0x87: {  	_ =	shalt  }
.Lfunc_end0:
.L_simem_size_0:
called_computation.1_lowered:
.L_overlay_start_0:
0x88: {  	s2 =	sld [smem:$0x3FD9]  }
0x89: {  	s3 =	sld [smem:$0x3FFE];
	_ =	sdelay $0x1  }
0x8a: {  	s1 =	srdreg.scid  }
0x8b: {  	s0 =	sand.u32 $0x1, s1  }
0x8c: {  	s17 =	sshll.u32 s0, $0xA;
	s2 =	sadd.s32 s3, s2  }
0x8d: {  	s2 =	sadd.s32 s2, s17  }
0x8e: {  	[smem:$0x3FC1] =	sst s2  }
0x8f: {  	_ = 	snop  }
0x90: {  	s2 =	sld [smem:$0x3FD0];
	(tm) =	ssettm $0x1  }
0x91: {  	s18 =	sld [smem:$0x3FFB];
	_ =	sdelay $0x3  }
0x92: {  	_ =	strace s18  }
0x93: {  	s3 =	sld [smem:$0x3FFC];
	_ =	sdelay $0x3  }
0x94: {  	_ =	strace s3  }
0x95: {  	s3 =	sld [smem:$0x3FFD];
	_ =	sdelay $0x3  }
0x96: {  	_ =	strace s3  }
0x97: {  	_ =	strace $0x8FFFFFFF  }
0x98: {  	s19 =	sld [smem:$0x3FDB];
	_ =	sdelay $0x1  }
0x99: {  	s4 =	simm.s32 $_scs_section_size  }
0x9a: {  	s5 =	simm.s32 $_size__tile_overlayer_lowered;
	s6 =	simm.s32 $_tile_overlayer_lowered  }
0x9b: {  	s22 =	simm.s32 $0x1BFF;
	s21 =	sshll.u32 s6, $0x1;
	s3 =	sadd.s32 s4, s19  }
0x9c: {  	s7 =	simm.s32 $0x0;
	s20 =	sshll.u32 s5, $0x1;
	s5 =	sadd.s32 s21, s3  }
0x9d: {  	[timem:s7], [sflag:s22] =	dma.local [hbm:s5], s20  }
0x9e: {  	_ =	swait.ge [sflag:s22], s20  }
0x9f: {  	s4 =	ssub.s32 $0x0, s20;
	[sflag:s22] =	ssyncset.done $0x0  }
0xa0: {  	[sflag:s22] =	ssyncadd.s32 s4;
	_ =	sdelay $0x1  }
0xa1: {  	s23 =	simm.s32 $0x1B8B  }
0xa2: {  	_ =	swait.ge [sflag:s23], $0x1  }
0xa3: {  	[sflag:s23] =	ssyncset.done $0x0  }
0xa4: {  	s25 =	simm.s32 $0x1B8E;
	s24 =	sld [smem:$0x3FFE];
	[sflag:s23] =	ssyncadd.s32 $0xFFFFFFFF  }
0xa5: {  	s26 =	simm.s32 $execute0_lowered;
	[smem:$0x3FD2] =	sst s25  }
0xa6: {  	s5 =	sshll.u32 s26, $0x1;
	_ =	strace $0x80000049;
	[dreg:$0x1] =	wrdreg $0xFFFFFFFF  }
0xa7: {  	s28 =	simm.s32 $_size_execute0_lowered;
	s3 =	sadd.s32 s3, s5;
	[dreg:$0x0] =	wrdreg $0x0  }
0xa8: {  	s5 =	sshll.u32 s28, $0x1;
	[dreg:$0x2] =	wrdreg s3  }
0xa9: {  	[dreg:$0x3] =	wrdreg s5  }
0xaa: {  	[dreg:$0x4] =	wrdreg $0xC0  }
0xab: {  	_ =	task [dreg:s7], $0x5FFFF  }
0xac: {  	[dreg:$0x1] =	wrdreg $0xFFFFFFFF  }
0xad: {  	[dreg:$0x0] =	wrdreg $0x60  }
0xae: {  	[dreg:$0x2] =	wrdreg s24  }
0xaf: {  	[dreg:$0x3] =	wrdreg s2  }
0xb0: {  	[dreg:$0x4] =	wrdreg $0x98000  }
0xb1: {  	[dreg:$0x5] =	wrdreg $0x9  }
0xb2: {  	_ =	task.clear_ibuf [dreg:s7], $0x6FFFF;
	_ =	strace $0x90000049  }
0xb3: {  	s29 =	simm.s32 $0x9;
	_ =	strace $0x8000004B  }
0xb4: {  	_ =	swait.ge [sflag:s29], $0x1  }
0xb5: {  	[sflag:s29] =	ssyncadd.s32 $0xFFFFFFFF  }
0xb6: {  	_ =	strace $0x9000004B  }
0xb7: {  	_ =	sfence  }
0xb8: {  	s30 =	sld [smem:$0x0];
	_ =	sdelay $0x2  }
0xb9: {  	s31 =	sshll.u32 s1, $0xD;
	s1 =	sshrl.u32 s1, $0x2  }
0xba: {  	s3 =	sand.u32 $0x4000, s31;
	s1 =	sadd.s32 s1, s30  }
0xbb: {  	s0 =	sor.u32 s3, s0;
	s1 =	sshll.u32 s1, $0x11  }
0xbc: {  	s0 =	sor.u32 s1, s0  }
0xbd: {  	s0 =	sadd.s32 $0x8F2B, s0  }
0xbe: {  	[sflag:s0] =	ssyncadd.remote.s32 $0x1  }
0xbf: {  	_ =	sfence.sel $0xFFFF  }
0xc0: {  	[dreg:$0x0] =	wrdreg $0xFFFFFFFF;
	(pc) =	sbr.abs _section_cstart, $3  }
0xc1: {  	[dreg:$0x1] =	wrdreg $0xFFFFFFFF  }
0xc2: {  	_ =	task.clear_ibuf [dreg:s7], $0x2FFFF;
	_ =	strace $0x9FFFFFFF  }
0xc3: {  	(tm) =	ssettm $0x7FFFFFFF  }
tec
execute0_lowered:
.L_overlay_start_1:
0x0: {  	(tag) =	ssettag $0x1  }
0x1: {  	s8 =	rddreg [dreg:$0x0]  }
0x2: {  	s1 =	rddreg [dreg:$0x1]  }
0x3: {  	s2 =	rddreg [dreg:$0x2]  }
0x4: {  	s3 =	srdreg.scid;
	s0 =	rddreg [dreg:$0x3];
	s4 =	simm.s32 $0x0  }
0x5: {  	s13 =	simm.s32 $0x2;
	s14 =	simm.s32 $0x50;
	s15 =	simm.s32 $0x2000  }
0x6: {  	s16 =	simm.s32 $0x80;
	s17 =	simm.s32 $0x4800;
	s18 =	simm.s32 $0x1  }
0x7: {  	s19 =	simm.s32 $0x0;
	s9 =	sand.u32 $0x1, s3;
	s3 =	stileid.u32  }
0x8: {  	[smem:$0x7FF] =	sst s4;
	s5 =	sadd.s32 $0x1C00, s8;
	s7 =	smul.u32 $0x140000, s9  }
0x9: {  	s6 =	sadd.s32 $0x29E00, s8;
	s10 =	smul.u32 $0x14000, s3;
	_ =	strace $0x8000004A  }
0xa: {  	s11 =	ssub.s32 $0x2, s9;
	s12 =	smul.u32 $0x50000, s3;
	s30 =	sshll.u32 s3, $0x1  }
0xb: {  	s31 =	sshll.u32 s3, $0x6;
	s29 =	sshrl.u32 s11, $0x1;
	s9 =	sor.u32 s9, s30  }
0xc: {  	s7 =	sadd.s32 s10, s7;
	s11 =	ssub.s32 s11, s29;
	s12 =	sshrl.u32 s12, $0x2  }
0xd: {  	s9 =	smul.u32 $0x5000, s9;
	s10 =	sshrl.u32 s7, $0x3;
	s7 =	sadd.s32 $0x3DE00, s8  }
0xe: {  	s12 =	sadd.s32 s12, s2;
	s11 =	smax.u32 s11, $0x1;
	s10 =	sadd.s32 s10, s8  }
0xf: {  	s8 =	sor.u32 $0x1C02, s31;
	s12 =	sshrl.u32 s12, $0x3;
	s10 =	sadd.s32 $0x65000, s10  }
.LBB2_1:
0x10: {  	[spmem:s12], [sflag:s8] =	dma.local [hbm:s1], $0x2800  }
0x11: {  	_ =	swait.ge [sflag:s13], $0x2800  }
0x12: {  	[sflag:s13] =	ssyncset.done $0x0  }
0x13: {  	[sflag:s13] =	ssyncadd.s32 $0xFFFFD800  }
0x14: {  	s20 =	simm.s32 $0x0;
	[bflag:$0x0] =	sbarrier.arrive $0xFFFF  }
.LBB2_2:
0x15: {  	s21 =	sshll.u32 s20, $0xC  }
0x16: {  	s21 =	sadd.s32 s9, s21  }
0x17: {  	s21 =	sshrl.u32 s21, $0x3  }
0x18: {  	s22 =	sadd.s32 s5, s21  }
0x19: {  	[tilespmem:s4], [sflag:$0x2] =	stream.linear.gather [hbm4b:s22+s4], $0xC80, $0x38;
	[tilespmem:$0x1D800] =	vst v63  }
0x1a: {  	s22 =	simm.s32 $0x2  }
0x1b: {  	_ =	swait.ge [sflag:s22], $0xC80  }
0x1c: {  	[sflag:s22] =	ssyncset.done $0x0  }
0x1d: {  	s23 =	sadd.s32 s6, s21;
	s21 =	simm.s32 $0x1000;
	[sflag:s22] =	ssyncadd.s32 $0xFFFFF380  }
0x1e: {  	[tilespmem:s21], [sflag:$0x2] =	stream.linear.gather [hbm4b:s23+s4], $0xC80, $0x38;
	[tilespmem:$0x1D800] =	vst v63  }
0x1f: {  	_ =	swait.ge [sflag:s22], $0xC80  }
0x20: {  	p0 =	por $0x0, $0x0;
	[sflag:s22] =	ssyncset.done $0x0  }
0x21: {  	[sflag:s22] =	ssyncadd.s32 $0xFFFFF380;
	s22 =	smul.u32 @!p0 $0xAB, s22  }
0x22: {  	s30 =	simm.s32 $0x0  }
0x23: {  	s23 =	smul.u32 $0xAB, s30;
	s22 =	sshrl.u32 @!p0 s22, $0x9  }
0x24: {  	s29 =	simm.s32 $0x1;
	s22 =	sand.u32 @!p0 $0x7F, s22  }
0x25: {  	p1 =	por p0, p0;
	s23 =	sshrl.u32 s23, $0x9;
	s22 =	smul.u32 @!p0 $0x3, s22  }
0x26: {  	[tilespmem:s15], [sflag:$0x1] =	stream.indirect.gather [hbm4b:s7+s14], $0x80, s4, s14, $0xb8;
	[tilespmem:$0x1D800] =	vst v63  }
0x27: {  	s29 =	smul.u32 $0xAB, s29;
	s23 =	sand.u32 $0x7F, s23;
	s22 =	ssub.s32 @!p1 $0x2, s22  }
0x28: {  	s23 =	smul.u32 $0x3, s23;
	s24 =	sand.u32 @!p1 $0xFF, s22  }
0x29: {  	s25 =	simm.s32 $0x4;
	s28 =	simm.s32 @!p1 $0x50;
	s26 =	smul.u32 @!p1 $0xA000, s24  }
0x2a: {  	[tilespmem:s17], [sflag:$0x1] =	stream.indirect.gather [hbm4b:s7+s14], $0x80, s16, s14, $0xb8;
	[tilespmem:$0x1D800] =	vst v63  }
0x2b: {  	s23 =	ssub.s32 $0x0, s23;
	p0 =	por $0x0, $0x0;
	s26 =	sshrl.u32 @!p1 s26, $0x2  }
0x2c: {  	s22 =	simm.s32 $0x100;
	s24 =	simm.s32 $0x3;
	s26 =	sadd.s32 @!p1 $0x2000, s26  }
0x2d: {  	[tilespmem:s26], [sflag:$0x1] =	stream.indirect.gather @!p1 [hbm4b:s7+s28], $0x80, s22, s28, $0xb8;
	[tilespmem:$0x1D800] =	vst v63  }
0x2e: {  	s31 =	sshrl.u32 s29, $0x9;
	s23 =	sand.u32 $0xFF, s23;
	s28 =	smul.u32 @!p0 $0xAB, s24  }
0x2f: {  	s29 =	smul.u32 $0xA000, s23;
	s23 =	simm.s32 $0x1080;
	s26 =	sand.u32 $0x7F, s31  }
0x30: {  	s26 =	smul.u32 $0x3, s26;
	_ =	swait.ge [sflag:s18], $0x2800;
	s28 =	sshrl.u32 @!p0 s28, $0x9  }
0x31: {  	[sflag:s18] =	ssyncset.done $0x0;
	s30 =	sand.u32 @!p0 $0x7F, s28;
	s28 =	sshrl.u32 s29, $0x2  }
0x32: {  	s26 =	ssub.s32 $0x1, s26;
	[sflag:s18] =	ssyncadd.s32 $0xFFFFD800;
	s29 =	smul.u32 @!p0 $0x3, s30  }
.LBB2_3:
0x33: {  	s28 =	sadd.s32 $0x2000, s28  }
0x34: {  	s22 =	sadd.s32 $0x80, s22;
	s30 =	smov.u32 s25;
	s25 =	sadd.s32 $0x1, s25  }
0x35: {  	s31 =	smov.u32 s21;
	s21 =	smov.u32 s23;
	p2 =	por p0, p0  }
0x36: {  	p1 =	sne.s32 s25, $0x1B;
	s29 =	ssub.s32 @!p2 s24, s29;
	s24 =	smov.u32 s30  }
0x37: {  	s29 =	sand.u32 @!p2 $0xFF, s29  }
0x38: {  	s29 =	smul.u32 @!p2 $0xA000, s29  }
0x39: {  	[spmem:s2] =	stream.indirect.scatter.add.f32 [tilespmem:s28], [sflag:$0x2], $0x80, s31, s14, $0xb8;
	[tilespmem:$0x1D800] =	vst v63  }
0x3a: {  	s28 =	sshrl.u32 @!p2 s29, $0x2;
	s29 =	simm.s32 @!p2 $0x50;
	_ =	swait.ge [sflag:s13], $0x2800  }
0x3b: {  	s30 =	sadd.s32 $0xFFFFFFFE, s24;
	s28 =	sadd.s32 @!p2 $0x2000, s28;
	[sflag:s13] =	ssyncset.done $0x0  }
0x3c: {  	p0 =	sgt.u32 s30, $0x16;
	s31 =	smul.u32 $0xAB, s30;
	[sflag:s13] =	ssyncadd.s32 $0xFFFFD800  }
0x3d: {  	[tilespmem:s28], [sflag:$0x1] =	stream.indirect.gather @!p2 [hbm4b:s7+s29], $0x80, s22, s29, $0xb8;
	[tilespmem:$0x1D800] =	vst v63  }
0x3e: {  	s29 =	smul.u32 @!p0 $0xAB, s24  }
.Ltmp0:
0x3f: {  	s26 =	sand.u32 $0xFF, s26;
	s28 =	sshrl.u32 s31, $0x9;
	(pc) =	sbr.rel @p1 .LBB2_3-.Ltmp0, $4  }
0x40: {  	s23 =	sadd.s32 $0x80, s23;
	s26 =	smul.u32 $0xA000, s26;
	s28 =	sand.u32 $0x7F, s28  }
0x41: {  	s31 =	smul.u32 $0x3, s28;
	s28 =	sshrl.u32 @!p0 s29, $0x9;
	_ =	swait.ge [sflag:s18], $0x2800  }
0x42: {  	s29 =	sand.u32 @!p0 $0x7F, s28;
	s28 =	sshrl.u32 s26, $0x2;
	[sflag:s18] =	ssyncset.done $0x0  }
0x43: {  	s26 =	ssub.s32 s30, s31;
	s29 =	smul.u32 @!p0 $0x3, s29;
	[sflag:s18] =	ssyncadd.s32 $0xFFFFD800  }
0x44: {  	p0 =	por p0, p0  }
0x45: {  	s25 =	sadd.s32 $0x2000, s28;
	s24 =	ssub.s32 @!p0 s24, s29  }
0x46: {  	[spmem:s2] =	stream.indirect.scatter.add.f32 [tilespmem:s25], [sflag:$0x2], $0x80, s21, s14, $0xb8;
	[tilespmem:$0x1D800] =	vst v63  }
0x47: {  	s24 =	sand.u32 @!p0 $0xFF, s24  }
0x48: {  	s24 =	smul.u32 @!p0 $0xA000, s24  }
0x49: {  	s31 =	sand.u32 $0xFF, s26;
	_ =	swait.ge [sflag:s13], $0x2800  }
0x4a: {  	s21 =	sadd.s32 $0x80, s22;
	[sflag:s13] =	ssyncset.done $0x0;
	s22 =	sshrl.u32 @!p0 s24, $0x2  }
0x4b: {  	[sflag:s13] =	ssyncadd.s32 $0xFFFFD800;
	s24 =	simm.s32 @!p0 $0x50;
	s22 =	sadd.s32 @!p0 $0x2000, s22  }
0x4c: {  	[tilespmem:s22], [sflag:$0x1] =	stream.indirect.gather @!p0 [hbm4b:s7+s24], $0x80, s21, s24, $0xb8;
	[tilespmem:$0x1D800] =	vst v63  }
0x4d: {  	s21 =	smul.u32 $0xA000, s31  }
0x4e: {  	s20 =	sadd.s32 $0x1, s20;
	_ =	swait.ge [sflag:s18], $0x2800  }
0x4f: {  	p0 =	sne.s32 s20, $0x5;
	s21 =	sshrl.u32 s21, $0x2;
	[sflag:s18] =	ssyncset.done $0x0  }
.Ltmp1:
0x50: {  	[sflag:s18] =	ssyncadd.s32 $0xFFFFD800;
	s21 =	sadd.s32 $0x2000, s21;
	(pc) =	sbr.rel @p0 .LBB2_2-.Ltmp1, $4  }
0x51: {  	[spmem:s2] =	stream.indirect.scatter.add.f32 [tilespmem:s21], [sflag:$0x2], $0x80, s23, s14, $0xb8;
	[tilespmem:$0x1D800] =	vst v63  }
0x52: {  	_ =	swait.ge [sflag:s13], $0x2800  }
0x53: {  	[sflag:s13] =	ssyncset.done $0x0  }
0x54: {  	[sflag:s13] =	ssyncadd.s32 $0xFFFFD800  }
0x55: {  	s19 =	sadd.s32 $0x1, s19  }
0x56: {  	p0 =	sne.s32 s19, s11  }
.Ltmp2:
0x57: {  	[bflag:$0x0] =	sbarrier.arrive $0xFFFF;
	(pc) =	sbr.rel @p0 .LBB2_1-.Ltmp2, $4  }
0x58: {  	[hbm:s10], [sflag:s8] =	dma.local [spmem:s12], $0x2800  }
0x59: {  	_ =	swait.ge [sflag:s13], $0x2800  }
0x5a: {  	[sflag:s13] =	ssyncset.done $0x0  }
0x5b: {  	[sflag:s13] =	ssyncadd.s32 $0xFFFFD800  }
0x5c: {  	_ =	sfence.sel $0x180000  }
0x5d: {  	[bflag:$0x0] =	sbarrier.arrive $0xFFFF  }
0x5e: {  	p0 =	sne.s32 s3, $0x0;
	_ =	strace $0x9000004A  }
0x5f: {  	s0 =	sadd.s32 @!p0 $0x100000, s0;
	[bflag:$0x2] =	sbarrier.arrive $0xFFFF  }
0x60: {  	[sflag:s0] =	ssyncadd.tile.s32 @!p0 $0x1;
	_ =	shalt  }
.Lfunc_end2:
_tile_overlayer_lowered:
.L_overlay_start_2:
0x61: {  	(tag) =	ssettag $0x2  }
0x62: {  	s0 =	rddreg [dreg:$0x0];
	s2 =	stileid.u32  }
0x63: {  	s1 =	rddreg [dreg:$0x1];
	p0 =	sne.s32 s2, $0x0  }
0x64: {  	s3 =	rddreg [dreg:$0x2];
	[bflag:$0x3] =	sbarrier.arrive $0xFFFF;
	s2 =	simm.s32 @!p0 $0x1C02  }
0x65: {  	[timem:s3], [sflag:s2] =	dma.local @!p0 [hbm:s0], s1  }
0x66: {  	s0 =	simm.s32 @!p0 $0x2  }
0x67: {  	_ =	swait.ge @!p0 [sflag:s0], s1  }
0x68: {  	s1 =	ssub.s32 @!p0 $0x0, s1;
	[sflag:s0] =	ssyncset.done @!p0 $0x0  }
0x69: {  	[sflag:s0] =	ssyncadd.s32 @!p0 s1  }
0x6a: {  	[bflag:$0x3] =	sbarrier.arrive $0xFFFF  }
0x6b: {  	_ =	shalt  }

</sc_bundles>
